<compile_context>
chip_gen: v7x
topology: tpu7x:2x2x1
jax: 0.10.2.dev20260603
libtpu: 0.0.44.dev20260713+nightly
codegen_flags: <defaults>
</compile_context>

<pallas_src>
import functools

import jax
import jax.numpy as jnp
from jax import lax
from jax.experimental import pallas as pl
from jax.experimental.pallas import tpu as pltpu
from jax.experimental.pallas import tpu_sc as plsc

_B = 16384
_D = 64
_NC, _NS = 2, 16
_NW = _NC * _NS
_BPW = _B // _NW
_CH = 256


def _body(uids, iids, ut, it, uout, iout, uidx, iidx, urows, irows, usem, isem):
    wid = lax.axis_index("s") * _NC + lax.axis_index("c")
    base = wid * _BPW
    pltpu.sync_copy(uids.at[pl.ds(base, _BPW)], uidx)
    pltpu.sync_copy(iids.at[pl.ds(base, _BPW)], iidx)

    def chunk(c, carry):
        cbase = c * _CH

        def step(g, carry2):
            off = cbase + g * 16
            uvec = uidx[pl.ds(off, 16)]
            ivec = iidx[pl.ds(off, 16)]
            row = g * 16
            for j in range(16):
                pltpu.async_copy(ut.at[uvec[j]], urows.at[row + j], usem)
                pltpu.async_copy(it.at[ivec[j]], irows.at[row + j], isem)
            return carry2

        lax.fori_loop(0, _CH // 16, step, 0)
        pltpu.make_async_copy(ut.at[pl.ds(0, _CH)], urows, usem).wait()
        pltpu.sync_copy(urows, uout.at[pl.ds(base + cbase, _CH)])
        pltpu.make_async_copy(it.at[pl.ds(0, _CH)], irows, isem).wait()
        pltpu.sync_copy(irows, iout.at[pl.ds(base + cbase, _CH)])
        return carry

    lax.fori_loop(0, _BPW // _CH, chunk, 0)


_gather = functools.partial(
    pl.kernel,
    mesh=plsc.VectorSubcoreMesh(core_axis_name="c", subcore_axis_name="s"),
    out_type=(
        jax.ShapeDtypeStruct((_B, _D), jnp.float32),
        jax.ShapeDtypeStruct((_B, _D), jnp.float32),
    ),
    scratch_types=[
        pltpu.VMEM((_BPW,), jnp.int32),
        pltpu.VMEM((_BPW,), jnp.int32),
        pltpu.VMEM((_CH, _D), jnp.float32),
        pltpu.VMEM((_CH, _D), jnp.float32),
        pltpu.SemaphoreType.DMA,
        pltpu.SemaphoreType.DMA,
    ],
)(_body)


def kernel(user_ids, item_ids, user_table, item_table):
    return _gather(
        user_ids.astype(jnp.int32),
        item_ids.astype(jnp.int32),
        user_table,
        item_table,
    )

# --- scband reference (transcript-rebuilt; emitter-appended) ---
"""Pipeline reference for scband-hetero-embedding-2551210573851 (READ-ONLY COPY).

The authoritative reference and input builder live on the scoring server;
editing this copy changes nothing except your own understanding.
"""

import jax, jax.numpy as jnp
import numpy as np
import math

NUM_USERS = 1000000
NUM_ITEMS = 100000
DIM = 64
BATCH = 16384

def setup_inputs(seed: int = 0) -> dict:
    key = jax.random.key(seed)
    k1, k2, k3, k4 = jax.random.split(key, 4)
    a = math.sqrt(6.0 / (DIM + DIM))
    user_table = jax.random.uniform(k1, (NUM_USERS, DIM), dtype=jnp.float32, minval=-a, maxval=a)
    item_table = jax.random.uniform(k2, (NUM_ITEMS, DIM), dtype=jnp.float32, minval=-a, maxval=a)
    user_ids = jax.random.randint(k3, (BATCH,), 0, NUM_USERS, dtype=jnp.int64 if jax.config.read('jax_enable_x64') else jnp.int32)
    item_ids = jax.random.randint(k4, (BATCH,), 0, NUM_ITEMS, dtype=jnp.int64 if jax.config.read('jax_enable_x64') else jnp.int32)
    return {"user_ids": user_ids, "item_ids": item_ids, "user_table": user_table, "item_table": item_table}

def reference(user_ids, item_ids, user_table, item_table):
    # HeteroEmbedding.forward: {ntype: embedding_table[ids]} per node type
    user_emb = jnp.take(user_table, user_ids, axis=0)
    item_emb = jnp.take(item_table, item_ids, axis=0)
    return (user_emb, item_emb)

if __name__ == "__main__":
    import jax
    _d = setup_inputs()
    print(jax.jit(kernel)(*tuple(_d.values())))

</pallas_src>

<mosaic_0001>
#map = affine_map<(d0, d1) -> (0)>
#map1 = affine_map<(d0, d1) -> (0, 0)>
module attributes {stable_mosaic.version = 14 : i64} {
  func.func @_body(%arg0: i32, %arg1: i32, %arg2: memref<16384xi32, #tpu.memory_space<hbm>>, %arg3: memref<16384xi32, #tpu.memory_space<hbm>>, %arg4: memref<1000000x64xf32, #tpu.memory_space<hbm>>, %arg5: memref<100000x64xf32, #tpu.memory_space<hbm>>, %arg6: memref<16384x64xf32, #tpu.memory_space<hbm>>, %arg7: memref<16384x64xf32, #tpu.memory_space<hbm>>, %arg8: memref<512xi32, #tpu.memory_space<vmem>>, %arg9: memref<512xi32, #tpu.memory_space<vmem>>, %arg10: memref<256x64xf32, #tpu.memory_space<vmem>>, %arg11: memref<256x64xf32, #tpu.memory_space<vmem>>, %arg12: memref<!tpu.dma_semaphore, #tpu.memory_space<semaphore_mem>>, %arg13: memref<!tpu.dma_semaphore, #tpu.memory_space<semaphore_mem>>) attributes {dimension_semantics = [#tpu.dimension_semantics<core_parallel>, #tpu.dimension_semantics<subcore_parallel>], iteration_bounds = array<i64: 2, 16>, scalar_prefetch = 0 : i64, scratch_operands = 6 : i64, tpu.core_type = #tpu.core_type<sc_vector_subcore>, window_params = [{transform_indices = #map}, {transform_indices = #map}, {transform_indices = #map1}, {transform_indices = #map1}, {transform_indices = #map1}, {transform_indices = #map1}]} {
    %mul3A = arith.constant 2 : i32
    %mul3A_0 = arith.muli %arg1, %mul3A : i32
    %add3A = arith.addi %mul3A_0, %arg0 : i32
    %mul3A_1 = arith.constant 512 : i32
    %mul3A_2 = arith.muli %add3A, %mul3A_1 : i32
    "tpu.region"() ({
      %run_scoped3A = tpu.sem_alloc : memref<!tpu.dma_semaphore, #tpu.memory_space<semaphore_mem>>
      %dma_start3A = tpu.memref_slice %arg2[%mul3A_2] : memref<16384xi32, #tpu.memory_space<hbm>> -> memref<512xi32, #tpu.memory_space<hbm>>
      %dma_start3A_8 = tpu.memref_slice %arg2[%mul3A_2] : memref<16384xi32, #tpu.memory_space<hbm>> -> memref<512xi32, #tpu.memory_space<hbm>>
      tpu.enqueue_dma source(%dma_start3A_8 : memref<512xi32, #tpu.memory_space<hbm>>) target(%arg8 : memref<512xi32, #tpu.memory_space<vmem>>) target_semaphore(%run_scoped3A : memref<!tpu.dma_semaphore, #tpu.memory_space<semaphore_mem>>)
      %dma_wait3A = tpu.memref_slice %arg2[%mul3A_2] : memref<16384xi32, #tpu.memory_space<hbm>> -> memref<512xi32, #tpu.memory_space<hbm>>
      %dma_wait3A_9 = tpu.memref_slice %arg2[%mul3A_2] : memref<16384xi32, #tpu.memory_space<hbm>> -> memref<512xi32, #tpu.memory_space<hbm>>
      tpu.wait_dma2 semaphore(%run_scoped3A : memref<!tpu.dma_semaphore, #tpu.memory_space<semaphore_mem>>) src(%dma_wait3A_9 : memref<512xi32, #tpu.memory_space<hbm>>) dst(%arg8 : memref<512xi32, #tpu.memory_space<vmem>>)
      tpu.yield
    }) : () -> ()
    "tpu.region"() ({
      %run_scoped3A = tpu.sem_alloc : memref<!tpu.dma_semaphore, #tpu.memory_space<semaphore_mem>>
      %dma_start3A = tpu.memref_slice %arg3[%mul3A_2] : memref<16384xi32, #tpu.memory_space<hbm>> -> memref<512xi32, #tpu.memory_space<hbm>>
      %dma_start3A_8 = tpu.memref_slice %arg3[%mul3A_2] : memref<16384xi32, #tpu.memory_space<hbm>> -> memref<512xi32, #tpu.memory_space<hbm>>
      tpu.enqueue_dma source(%dma_start3A_8 : memref<512xi32, #tpu.memory_space<hbm>>) target(%arg9 : memref<512xi32, #tpu.memory_space<vmem>>) target_semaphore(%run_scoped3A : memref<!tpu.dma_semaphore, #tpu.memory_space<semaphore_mem>>)
      %dma_wait3A = tpu.memref_slice %arg3[%mul3A_2] : memref<16384xi32, #tpu.memory_space<hbm>> -> memref<512xi32, #tpu.memory_space<hbm>>
      %dma_wait3A_9 = tpu.memref_slice %arg3[%mul3A_2] : memref<16384xi32, #tpu.memory_space<hbm>> -> memref<512xi32, #tpu.memory_space<hbm>>
      tpu.wait_dma2 semaphore(%run_scoped3A : memref<!tpu.dma_semaphore, #tpu.memory_space<semaphore_mem>>) src(%dma_wait3A_9 : memref<512xi32, #tpu.memory_space<hbm>>) dst(%arg9 : memref<512xi32, #tpu.memory_space<vmem>>)
      tpu.yield
    }) : () -> ()
    %scan3A = arith.constant 0 : i32
    %scan3A_3 = arith.constant 0 : i32
    %scan3A_4 = arith.constant 2 : i32
    %scan3A_5 = arith.addi %scan3A_3, %scan3A_4 : i32
    %scan3A_6 = arith.constant 1 : i32
    scf.for %scan3A_8 = %scan3A_3 to %scan3A_5 step %scan3A_6  : i32 {
      %mul3A_9 = arith.constant 256 : i32
      %mul3A_10 = arith.muli %scan3A_8, %mul3A_9 : i32
      %scan3A_11 = arith.constant 0 : i32
      %scan3A_12 = arith.constant 0 : i32
      %scan3A_13 = arith.constant 16 : i32
      %scan3A_14 = arith.addi %scan3A_12, %scan3A_13 : i32
      %scan3A_15 = arith.constant 1 : i32
      scf.for %scan3A_30 = %scan3A_12 to %scan3A_14 step %scan3A_15  : i32 {
        %mul3A_31 = arith.constant 16 : i32
        %mul3A_32 = arith.muli %scan3A_30, %mul3A_31 : i32
        %add3A_33 = arith.addi %mul3A_10, %mul3A_32 : i32
        %get3A = arith.index_cast %add3A_33 : i32 to index
        %get3A_34 = tpu.vector_load %arg8[%get3A] {strides = array<i32>} : memref<512xi32, #tpu.memory_space<vmem>>, vector<16xi32>,
        %get3A_35 = vector.shape_cast %get3A_34 : vector<16xi32> to vector<16xi32>
        %get3A_36 = arith.index_cast %add3A_33 : i32 to index
        %get3A_37 = tpu.vector_load %arg9[%get3A_36] {strides = array<i32>} : memref<512xi32, #tpu.memory_space<vmem>>, vector<16xi32>,
        %get3A_38 = vector.shape_cast %get3A_37 : vector<16xi32> to vector<16xi32>
        %mul3A_39 = arith.constant 16 : i32
        %mul3A_40 = arith.muli %scan3A_30, %mul3A_39 : i32
        %slice3A = vector.extract_strided_slice %get3A_35 {offsets = [0], sizes = [1], strides = [1]} : vector<16xi32> to vector<1xi32>
        %squeeze3A = vector.extract %slice3A[0] : i32 from vector<1xi32>
        %add3A_41 = arith.constant 0 : i32
        %add3A_42 = arith.addi %mul3A_40, %add3A_41 : i32
        %dma_start3A = arith.constant 0 : i32
        %dma_start3A_43 = tpu.memref_slice %arg10[%add3A_42, %dma_start3A] : memref<256x64xf32, #tpu.memory_space<vmem>> -> memref<1x64xf32, #tpu.memory_space<vmem>>
        %dma_start3A_44 = tpu.memref_squeeze %dma_start3A_43 : memref<1x64xf32, #tpu.memory_space<vmem>> -> memref<64xf32, #tpu.memory_space<vmem>>
        %dma_start3A_45 = arith.constant 0 : i32
        %dma_start3A_46 = tpu.memref_slice %arg4[%squeeze3A, %dma_start3A_45] : memref<1000000x64xf32, #tpu.memory_space<hbm>> -> memref<1x64xf32, #tpu.memory_space<hbm>>
        %dma_start3A_47 = tpu.memref_squeeze %dma_start3A_46 : memref<1x64xf32, #tpu.memory_space<hbm>> -> memref<64xf32, #tpu.memory_space<hbm>>
        %dma_start3A_48 = arith.constant 0 : i32
        %dma_start3A_49 = tpu.memref_slice %arg10[%add3A_42, %dma_start3A_48] : memref<256x64xf32, #tpu.memory_space<vmem>> -> memref<1x64xf32, #tpu.memory_space<vmem>>
        %dma_start3A_50 = tpu.memref_squeeze %dma_start3A_49 : memref<1x64xf32, #tpu.memory_space<vmem>> -> memref<64xf32, #tpu.memory_space<vmem>>
        %dma_start3A_51 = arith.constant 0 : i32
        %dma_start3A_52 = tpu.memref_slice %arg4[%squeeze3A, %dma_start3A_51] : memref<1000000x64xf32, #tpu.memory_space<hbm>> -> memref<1x64xf32, #tpu.memory_space<hbm>>
        %dma_start3A_53 = tpu.memref_squeeze %dma_start3A_52 : memref<1x64xf32, #tpu.memory_space<hbm>> -> memref<64xf32, #tpu.memory_space<hbm>>
        tpu.enqueue_dma source(%dma_start3A_53 : memref<64xf32, #tpu.memory_space<hbm>>) target(%dma_start3A_50 : memref<64xf32, #tpu.memory_space<vmem>>) target_semaphore(%arg12 : memref<!tpu.dma_semaphore, #tpu.memory_space<semaphore_mem>>)
        %slice3A_54 = vector.extract_strided_slice %get3A_38 {offsets = [0], sizes = [1], strides = [1]} : vector<16xi32> to vector<1xi32>
        %squeeze3A_55 = vector.extract %slice3A_54[0] : i32 from vector<1xi32>
        %add3A_56 = arith.constant 0 : i32
        %add3A_57 = arith.addi %mul3A_40, %add3A_56 : i32
        %dma_start3A_58 = arith.constant 0 : i32
        %dma_start3A_59 = tpu.memref_slice %arg11[%add3A_57, %dma_start3A_58] : memref<256x64xf32, #tpu.memory_space<vmem>> -> memref<1x64xf32, #tpu.memory_space<vmem>>
        %dma_start3A_60 = tpu.memref_squeeze %dma_start3A_59 : memref<1x64xf32, #tpu.memory_space<vmem>> -> memref<64xf32, #tpu.memory_space<vmem>>
        %dma_start3A_61 = arith.constant 0 : i32
        %dma_start3A_62 = tpu.memref_slice %arg5[%squeeze3A_55, %dma_start3A_61] : memref<100000x64xf32, #tpu.memory_space<hbm>> -> memref<1x64xf32, #tpu.memory_space<hbm>>
        %dma_start3A_63 = tpu.memref_squeeze %dma_start3A_62 : memref<1x64xf32, #tpu.memory_space<hbm>> -> memref<64xf32, #tpu.memory_space<hbm>>
        %dma_start3A_64 = arith.constant 0 : i32
        %dma_start3A_65 = tpu.memref_slice %arg11[%add3A_57, %dma_start3A_64] : memref<256x64xf32, #tpu.memory_space<vmem>> -> memref<1x64xf32, #tpu.memory_space<vmem>>
        %dma_start3A_66 = tpu.memref_squeeze %dma_start3A_65 : memref<1x64xf32, #tpu.memory_space<vmem>> -> memref<64xf32, #tpu.memory_space<vmem>>
        %dma_start3A_67 = arith.constant 0 : i32
        %dma_start3A_68 = tpu.memref_slice %arg5[%squeeze3A_55, %dma_start3A_67] : memref<100000x64xf32, #tpu.memory_space<hbm>> -> memref<1x64xf32, #tpu.memory_space<hbm>>
        %dma_start3A_69 = tpu.memref_squeeze %dma_start3A_68 : memref<1x64xf32, #tpu.memory_space<hbm>> -> memref<64xf32, #tpu.memory_space<hbm>>
        tpu.enqueue_dma source(%dma_start3A_69 : memref<64xf32, #tpu.memory_space<hbm>>) target(%dma_start3A_66 : memref<64xf32, #tpu.memory_space<vmem>>) target_semaphore(%arg13 : memref<!tpu.dma_semaphore, #tpu.memory_space<semaphore_mem>>)
        %slice3A_70 = vector.extract_strided_slice %get3A_35 {offsets = [1], sizes = [1], strides = [1]} : vector<16xi32> to vector<1xi32>
        %squeeze3A_71 = vector.extract %slice3A_70[0] : i32 from vector<1xi32>
        %add3A_72 = arith.constant 1 : i32
        %add3A_73 = arith.addi %mul3A_40, %add3A_72 : i32
        %dma_start3A_74 = arith.constant 0 : i32
        %dma_start3A_75 = tpu.memref_slice %arg10[%add3A_73, %dma_start3A_74] : memref<256x64xf32, #tpu.memory_space<vmem>> -> memref<1x64xf32, #tpu.memory_space<vmem>>
        %dma_start3A_76 = tpu.memref_squeeze %dma_start3A_75 : memref<1x64xf32, #tpu.memory_space<vmem>> -> memref<64xf32, #tpu.memory_space<vmem>>
        %dma_start3A_77 = arith.constant 0 : i32
        %dma_start3A_78 = tpu.memref_slice %arg4[%squeeze3A_71, %dma_start3A_77] : memref<1000000x64xf32, #tpu.memory_space<hbm>> -> memref<1x64xf32, #tpu.memory_space<hbm>>
        %dma_start3A_79 = tpu.memref_squeeze %dma_start3A_78 : memref<1x64xf32, #tpu.memory_space<hbm>> -> memref<64xf32, #tpu.memory_space<hbm>>
        %dma_start3A_80 = arith.constant 0 : i32
        %dma_start3A_81 = tpu.memref_slice %arg10[%add3A_73, %dma_start3A_80] : memref<256x64xf32, #tpu.memory_space<vmem>> -> memref<1x64xf32, #tpu.memory_space<vmem>>
        %dma_start3A_82 = tpu.memref_squeeze %dma_start3A_81 : memref<1x64xf32, #tpu.memory_space<vmem>> -> memref<64xf32, #tpu.memory_space<vmem>>
        %dma_start3A_83 = arith.constant 0 : i32
        %dma_start3A_84 = tpu.memref_slice %arg4[%squeeze3A_71, %dma_start3A_83] : memref<1000000x64xf32, #tpu.memory_space<hbm>> -> memref<1x64xf32, #tpu.memory_space<hbm>>
        %dma_start3A_85 = tpu.memref_squeeze %dma_start3A_84 : memref<1x64xf32, #tpu.memory_space<hbm>> -> memref<64xf32, #tpu.memory_space<hbm>>
        tpu.enqueue_dma source(%dma_start3A_85 : memref<64xf32, #tpu.memory_space<hbm>>) target(%dma_start3A_82 : memref<64xf32, #tpu.memory_space<vmem>>) target_semaphore(%arg12 : memref<!tpu.dma_semaphore, #tpu.memory_space<semaphore_mem>>)
        %slice3A_86 = vector.extract_strided_slice %get3A_38 {offsets = [1], sizes = [1], strides = [1]} : vector<16xi32> to vector<1xi32>
        %squeeze3A_87 = vector.extract %slice3A_86[0] : i32 from vector<1xi32>
        %add3A_88 = arith.constant 1 : i32
        %add3A_89 = arith.addi %mul3A_40, %add3A_88 : i32
        %dma_start3A_90 = arith.constant 0 : i32
        %dma_start3A_91 = tpu.memref_slice %arg11[%add3A_89, %dma_start3A_90] : memref<256x64xf32, #tpu.memory_space<vmem>> -> memref<1x64xf32, #tpu.memory_space<vmem>>
        %dma_start3A_92 = tpu.memref_squeeze %dma_start3A_91 : memref<1x64xf32, #tpu.memory_space<vmem>> -> memref<64xf32, #tpu.memory_space<vmem>>
        %dma_start3A_93 = arith.constant 0 : i32
        %dma_start3A_94 = tpu.memref_slice %arg5[%squeeze3A_87, %dma_start3A_93] : memref<100000x64xf32, #tpu.memory_space<hbm>> -> memref<1x64xf32, #tpu.memory_space<hbm>>
        %dma_start3A_95 = tpu.memref_squeeze %dma_start3A_94 : memref<1x64xf32, #tpu.memory_space<hbm>> -> memref<64xf32, #tpu.memory_space<hbm>>
        %dma_start3A_96 = arith.constant 0 : i32
        %dma_start3A_97 = tpu.memref_slice %arg11[%add3A_89, %dma_start3A_96] : memref<256x64xf32, #tpu.memory_space<vmem>> -> memref<1x64xf32, #tpu.memory_space<vmem>>
        %dma_start3A_98 = tpu.memref_squeeze %dma_start3A_97 : memref<1x64xf32, #tpu.memory_space<vmem>> -> memref<64xf32, #tpu.memory_space<vmem>>
        %dma_start3A_99 = arith.constant 0 : i32
        %dma_start3A_100 = tpu.memref_slice %arg5[%squeeze3A_87, %dma_start3A_99] : memref<100000x64xf32, #tpu.memory_space<hbm>> -> memref<1x64xf32, #tpu.memory_space<hbm>>
        %dma_start3A_101 = tpu.memref_squeeze %dma_start3A_100 : memref<1x64xf32, #tpu.memory_space<hbm>> -> memref<64xf32, #tpu.memory_space<hbm>>
        tpu.enqueue_dma source(%dma_start3A_101 : memref<64xf32, #tpu.memory_space<hbm>>) target(%dma_start3A_98 : memref<64xf32, #tpu.memory_space<vmem>>) target_semaphore(%arg13 : memref<!tpu.dma_semaphore, #tpu.memory_space<semaphore_mem>>)
        %slice3A_102 = vector.extract_strided_slice %get3A_35 {offsets = [2], sizes = [1], strides = [1]} : vector<16xi32> to vector<1xi32>
        %squeeze3A_103 = vector.extract %slice3A_102[0] : i32 from vector<1xi32>
        %add3A_104 = arith.constant 2 : i32
        %add3A_105 = arith.addi %mul3A_40, %add3A_104 : i32
        %dma_start3A_106 = arith.constant 0 : i32
        %dma_start3A_107 = tpu.memref_slice %arg10[%add3A_105, %dma_start3A_106] : memref<256x64xf32, #tpu.memory_space<vmem>> -> memref<1x64xf32, #tpu.memory_space<vmem>>
        %dma_start3A_108 = tpu.memref_squeeze %dma_start3A_107 : memref<1x64xf32, #tpu.memory_space<vmem>> -> memref<64xf32, #tpu.memory_space<vmem>>
        %dma_start3A_109 = arith.constant 0 : i32
        %dma_start3A_110 = tpu.memref_slice %arg4[%squeeze3A_103, %dma_start3A_109] : memref<1000000x64xf32, #tpu.memory_space<hbm>> -> memref<1x64xf32, #tpu.memory_space<hbm>>
        %dma_start3A_111 = tpu.memref_squeeze %dma_start3A_110 : memref<1x64xf32, #tpu.memory_space<hbm>> -> memref<64xf32, #tpu.memory_space<hbm>>
        %dma_start3A_112 = arith.constant 0 : i32
        %dma_start3A_113 = tpu.memref_slice %arg10[%add3A_105, %dma_start3A_112] : memref<256x64xf32, #tpu.memory_space<vmem>> -> memref<1x64xf32, #tpu.memory_space<vmem>>
        %dma_start3A_114 = tpu.memref_squeeze %dma_start3A_113 : memref<1x64xf32, #tpu.memory_space<vmem>> -> memref<64xf32, #tpu.memory_space<vmem>>
        %dma_start3A_115 = arith.constant 0 : i32
        %dma_start3A_116 = tpu.memref_slice %arg4[%squeeze3A_103, %dma_start3A_115] : memref<1000000x64xf32, #tpu.memory_space<hbm>> -> memref<1x64xf32, #tpu.memory_space<hbm>>
        %dma_start3A_117 = tpu.memref_squeeze %dma_start3A_116 : memref<1x64xf32, #tpu.memory_space<hbm>> -> memref<64xf32, #tpu.memory_space<hbm>>
        tpu.enqueue_dma source(%dma_start3A_117 : memref<64xf32, #tpu.memory_space<hbm>>) target(%dma_start3A_114 : memref<64xf32, #tpu.memory_space<vmem>>) target_semaphore(%arg12 : memref<!tpu.dma_semaphore, #tpu.memory_space<semaphore_mem>>)
        %slice3A_118 = vector.extract_strided_slice %get3A_38 {offsets = [2], sizes = [1], strides = [1]} : vector<16xi32> to vector<1xi32>
        %squeeze3A_119 = vector.extract %slice3A_118[0] : i32 from vector<1xi32>
        %add3A_120 = arith.constant 2 : i32
        %add3A_121 = arith.addi %mul3A_40, %add3A_120 : i32
        %dma_start3A_122 = arith.constant 0 : i32
        %dma_start3A_123 = tpu.memref_slice %arg11[%add3A_121, %dma_start3A_122] : memref<256x64xf32, #tpu.memory_space<vmem>> -> memref<1x64xf32, #tpu.memory_space<vmem>>
        %dma_start3A_124 = tpu.memref_squeeze %dma_start3A_123 : memref<1x64xf32, #tpu.memory_space<vmem>> -> memref<64xf32, #tpu.memory_space<vmem>>
        %dma_start3A_125 = arith.constant 0 : i32
        %dma_start3A_126 = tpu.memref_slice %arg5[%squeeze3A_119, %dma_start3A_125] : memref<100000x64xf32, #tpu.memory_space<hbm>> -> memref<1x64xf32, #tpu.memory_space<hbm>>
        %dma_start3A_127 = tpu.memref_squeeze %dma_start3A_126 : memref<1x64xf32, #tpu.memory_space<hbm>> -> memref<64xf32, #tpu.memory_space<hbm>>
        %dma_start3A_128 = arith.constant 0 : i32
        %dma_start3A_129 = tpu.memref_slice %arg11[%add3A_121, %dma_start3A_128] : memref<256x64xf32, #tpu.memory_space<vmem>> -> memref<1x64xf32, #tpu.memory_space<vmem>>
        %dma_start3A_130 = tpu.memref_squeeze %dma_start3A_129 : memref<1x64xf32, #tpu.memory_space<vmem>> -> memref<64xf32, #tpu.memory_space<vmem>>
        %dma_start3A_131 = arith.constant 0 : i32
        %dma_start3A_132 = tpu.memref_slice %arg5[%squeeze3A_119, %dma_start3A_131] : memref<100000x64xf32, #tpu.memory_space<hbm>> -> memref<1x64xf32, #tpu.memory_space<hbm>>
        %dma_start3A_133 = tpu.memref_squeeze %dma_start3A_132 : memref<1x64xf32, #tpu.memory_space<hbm>> -> memref<64xf32, #tpu.memory_space<hbm>>
        tpu.enqueue_dma source(%dma_start3A_133 : memref<64xf32, #tpu.memory_space<hbm>>) target(%dma_start3A_130 : memref<64xf32, #tpu.memory_space<vmem>>) target_semaphore(%arg13 : memref<!tpu.dma_semaphore, #tpu.memory_space<semaphore_mem>>)
        %slice3A_134 = vector.extract_strided_slice %get3A_35 {offsets = [3], sizes = [1], strides = [1]} : vector<16xi32> to vector<1xi32>
        %squeeze3A_135 = vector.extract %slice3A_134[0] : i32 from vector<1xi32>
        %add3A_136 = arith.constant 3 : i32
        %add3A_137 = arith.addi %mul3A_40, %add3A_136 : i32
        %dma_start3A_138 = arith.constant 0 : i32
        %dma_start3A_139 = tpu.memref_slice %arg10[%add3A_137, %dma_start3A_138] : memref<256x64xf32, #tpu.memory_space<vmem>> -> memref<1x64xf32, #tpu.memory_space<vmem>>
        %dma_start3A_140 = tpu.memref_squeeze %dma_start3A_139 : memref<1x64xf32, #tpu.memory_space<vmem>> -> memref<64xf32, #tpu.memory_space<vmem>>
        %dma_start3A_141 = arith.constant 0 : i32
        %dma_start3A_142 = tpu.memref_slice %arg4[%squeeze3A_135, %dma_start3A_141] : memref<1000000x64xf32, #tpu.memory_space<hbm>> -> memref<1x64xf32, #tpu.memory_space<hbm>>
        %dma_start3A_143 = tpu.memref_squeeze %dma_start3A_142 : memref<1x64xf32, #tpu.memory_space<hbm>> -> memref<64xf32, #tpu.memory_space<hbm>>
        %dma_start3A_144 = arith.constant 0 : i32
        %dma_start3A_145 = tpu.memref_slice %arg10[%add3A_137, %dma_start3A_144] : memref<256x64xf32, #tpu.memory_space<vmem>> -> memref<1x64xf32, #tpu.memory_space<vmem>>
        %dma_start3A_146 = tpu.memref_squeeze %dma_start3A_145 : memref<1x64xf32, #tpu.memory_space<vmem>> -> memref<64xf32, #tpu.memory_space<vmem>>
        %dma_start3A_147 = arith.constant 0 : i32
        %dma_start3A_148 = tpu.memref_slice %arg4[%squeeze3A_135, %dma_start3A_147] : memref<1000000x64xf32, #tpu.memory_space<hbm>> -> memref<1x64xf32, #tpu.memory_space<hbm>>
        %dma_start3A_149 = tpu.memref_squeeze %dma_start3A_148 : memref<1x64xf32, #tpu.memory_space<hbm>> -> memref<64xf32, #tpu.memory_space<hbm>>
        tpu.enqueue_dma source(%dma_start3A_149 : memref<64xf32, #tpu.memory_space<hbm>>) target(%dma_start3A_146 : memref<64xf32, #tpu.memory_space<vmem>>) target_semaphore(%arg12 : memref<!tpu.dma_semaphore, #tpu.memory_space<semaphore_mem>>)
        %slice3A_150 = vector.extract_strided_slice %get3A_38 {offsets = [3], sizes = [1], strides = [1]} : vector<16xi32> to vector<1xi32>
        %squeeze3A_151 = vector.extract %slice3A_150[0] : i32 from vector<1xi32>
        %add3A_152 = arith.constant 3 : i32
        %add3A_153 = arith.addi %mul3A_40, %add3A_152 : i32
        %dma_start3A_154 = arith.constant 0 : i32
        %dma_start3A_155 = tpu.memref_slice %arg11[%add3A_153, %dma_start3A_154] : memref<256x64xf32, #tpu.memory_space<vmem>> -> memref<1x64xf32, #tpu.memory_space<vmem>>
        %dma_start3A_156 = tpu.memref_squeeze %dma_start3A_155 : memref<1x64xf32, #tpu.memory_space<vmem>> -> memref<64xf32, #tpu.memory_space<vmem>>
        %dma_start3A_157 = arith.constant 0 : i32
        %dma_start3A_158 = tpu.memref_slice %arg5[%squeeze3A_151, %dma_start3A_157] : memref<100000x64xf32, #tpu.memory_space<hbm>> -> memref<1x64xf32, #tpu.memory_space<hbm>>
        %dma_start3A_159 = tpu.memref_squeeze %dma_start3A_158 : memref<1x64xf32, #tpu.memory_space<hbm>> -> memref<64xf32, #tpu.memory_space<hbm>>
        %dma_start3A_160 = arith.constant 0 : i32
        %dma_start3A_161 = tpu.memref_slice %arg11[%add3A_153, %dma_start3A_160] : memref<256x64xf32, #tpu.memory_space<vmem>> -> memref<1x64xf32, #tpu.memory_space<vmem>>
        %dma_start3A_162 = tpu.memref_squeeze %dma_start3A_161 : memref<1x64xf32, #tpu.memory_space<vmem>> -> memref<64xf32, #tpu.memory_space<vmem>>
        %dma_start3A_163 = arith.constant 0 : i32
        %dma_start3A_164 = tpu.memref_slice %arg5[%squeeze3A_151, %dma_start3A_163] : memref<100000x64xf32, #tpu.memory_space<hbm>> -> memref<1x64xf32, #tpu.memory_space<hbm>>
        %dma_start3A_165 = tpu.memref_squeeze %dma_start3A_164 : memref<1x64xf32, #tpu.memory_space<hbm>> -> memref<64xf32, #tpu.memory_space<hbm>>
        tpu.enqueue_dma source(%dma_start3A_165 : memref<64xf32, #tpu.memory_space<hbm>>) target(%dma_start3A_162 : memref<64xf32, #tpu.memory_space<vmem>>) target_semaphore(%arg13 : memref<!tpu.dma_semaphore, #tpu.memory_space<semaphore_mem>>)
        %slice3A_166 = vector.extract_strided_slice %get3A_35 {offsets = [4], sizes = [1], strides = [1]} : vector<16xi32> to vector<1xi32>
        %squeeze3A_167 = vector.extract %slice3A_166[0] : i32 from vector<1xi32>
        %add3A_168 = arith.constant 4 : i32
        %add3A_169 = arith.addi %mul3A_40, %add3A_168 : i32
        %dma_start3A_170 = arith.constant 0 : i32
        %dma_start3A_171 = tpu.memref_slice %arg10[%add3A_169, %dma_start3A_170] : memref<256x64xf32, #tpu.memory_space<vmem>> -> memref<1x64xf32, #tpu.memory_space<vmem>>
        %dma_start3A_172 = tpu.memref_squeeze %dma_start3A_171 : memref<1x64xf32, #tpu.memory_space<vmem>> -> memref<64xf32, #tpu.memory_space<vmem>>
        %dma_start3A_173 = arith.constant 0 : i32
        %dma_start3A_174 = tpu.memref_slice %arg4[%squeeze3A_167, %dma_start3A_173] : memref<1000000x64xf32, #tpu.memory_space<hbm>> -> memref<1x64xf32, #tpu.memory_space<hbm>>
        %dma_start3A_175 = tpu.memref_squeeze %dma_start3A_174 : memref<1x64xf32, #tpu.memory_space<hbm>> -> memref<64xf32, #tpu.memory_space<hbm>>
        %dma_start3A_176 = arith.constant 0 : i32
        %dma_start3A_177 = tpu.memref_slice %arg10[%add3A_169, %dma_start3A_176] : memref<256x64xf32, #tpu.memory_space<vmem>> -> memref<1x64xf32, #tpu.memory_space<vmem>>
        %dma_start3A_178 = tpu.memref_squeeze %dma_start3A_177 : memref<1x64xf32, #tpu.memory_space<vmem>> -> memref<64xf32, #tpu.memory_space<vmem>>
        %dma_start3A_179 = arith.constant 0 : i32
        %dma_start3A_180 = tpu.memref_slice %arg4[%squeeze3A_167, %dma_start3A_179] : memref<1000000x64xf32, #tpu.memory_space<hbm>> -> memref<1x64xf32, #tpu.memory_space<hbm>>
        %dma_start3A_181 = tpu.memref_squeeze %dma_start3A_180 : memref<1x64xf32, #tpu.memory_space<hbm>> -> memref<64xf32, #tpu.memory_space<hbm>>
        tpu.enqueue_dma source(%dma_start3A_181 : memref<64xf32, #tpu.memory_space<hbm>>) target(%dma_start3A_178 : memref<64xf32, #tpu.memory_space<vmem>>) target_semaphore(%arg12 : memref<!tpu.dma_semaphore, #tpu.memory_space<semaphore_mem>>)
        %slice3A_182 = vector.extract_strided_slice %get3A_38 {offsets = [4], sizes = [1], strides = [1]} : vector<16xi32> to vector<1xi32>
        %squeeze3A_183 = vector.extract %slice3A_182[0] : i32 from vector<1xi32>
        %add3A_184 = arith.constant 4 : i32
        %add3A_185 = arith.addi %mul3A_40, %add3A_184 : i32
        %dma_start3A_186 = arith.constant 0 : i32
        %dma_start3A_187 = tpu.memref_slice %arg11[%add3A_185, %dma_start3A_186] : memref<256x64xf32, #tpu.memory_space<vmem>> -> memref<1x64xf32, #tpu.memory_space<vmem>>
        %dma_start3A_188 = tpu.memref_squeeze %dma_start3A_187 : memref<1x64xf32, #tpu.memory_space<vmem>> -> memref<64xf32, #tpu.memory_space<vmem>>
        %dma_start3A_189 = arith.constant 0 : i32
        %dma_start3A_190 = tpu.memref_slice %arg5[%squeeze3A_183, %dma_start3A_189] : memref<100000x64xf32, #tpu.memory_space<hbm>> -> memref<1x64xf32, #tpu.memory_space<hbm>>
        %dma_start3A_191 = tpu.memref_squeeze %dma_start3A_190 : memref<1x64xf32, #tpu.memory_space<hbm>> -> memref<64xf32, #tpu.memory_space<hbm>>
        %dma_start3A_192 = arith.constant 0 : i32
        %dma_start3A_193 = tpu.memref_slice %arg11[%add3A_185, %dma_start3A_192] : memref<256x64xf32, #tpu.memory_space<vmem>> -> memref<1x64xf32, #tpu.memory_space<vmem>>
        %dma_start3A_194 = tpu.memref_squeeze %dma_start3A_193 : memref<1x64xf32, #tpu.memory_space<vmem>> -> memref<64xf32, #tpu.memory_space<vmem>>
        %dma_start3A_195 = arith.constant 0 : i32
        %dma_start3A_196 = tpu.memref_slice %arg5[%squeeze3A_183, %dma_start3A_195] : memref<100000x64xf32, #tpu.memory_space<hbm>> -> memref<1x64xf32, #tpu.memory_space<hbm>>
        %dma_start3A_197 = tpu.memref_squeeze %dma_start3A_196 : memref<1x64xf32, #tpu.memory_space<hbm>> -> memref<64xf32, #tpu.memory_space<hbm>>
        tpu.enqueue_dma source(%dma_start3A_197 : memref<64xf32, #tpu.memory_space<hbm>>) target(%dma_start3A_194 : memref<64xf32, #tpu.memory_space<vmem>>) target_semaphore(%arg13 : memref<!tpu.dma_semaphore, #tpu.memory_space<semaphore_mem>>)
        %slice3A_198 = vector.extract_strided_slice %get3A_35 {offsets = [5], sizes = [1], strides = [1]} : vector<16xi32> to vector<1xi32>
        %squeeze3A_199 = vector.extract %slice3A_198[0] : i32 from vector<1xi32>
        %add3A_200 = arith.constant 5 : i32
        %add3A_201 = arith.addi %mul3A_40, %add3A_200 : i32
        %dma_start3A_202 = arith.constant 0 : i32
        %dma_start3A_203 = tpu.memref_slice %arg10[%add3A_201, %dma_start3A_202] : memref<256x64xf32, #tpu.memory_space<vmem>> -> memref<1x64xf32, #tpu.memory_space<vmem>>
        %dma_start3A_204 = tpu.memref_squeeze %dma_start3A_203 : memref<1x64xf32, #tpu.memory_space<vmem>> -> memref<64xf32, #tpu.memory_space<vmem>>
        %dma_start3A_205 = arith.constant 0 : i32
        %dma_start3A_206 = tpu.memref_slice %arg4[%squeeze3A_199, %dma_start3A_205] : memref<1000000x64xf32, #tpu.memory_space<hbm>> -> memref<1x64xf32, #tpu.memory_space<hbm>>
        %dma_start3A_207 = tpu.memref_squeeze %dma_start3A_206 : memref<1x64xf32, #tpu.memory_space<hbm>> -> memref<64xf32, #tpu.memory_space<hbm>>
        %dma_start3A_208 = arith.constant 0 : i32
        %dma_start3A_209 = tpu.memref_slice %arg10[%add3A_201, %dma_start3A_208] : memref<256x64xf32, #tpu.memory_space<vmem>> -> memref<1x64xf32, #tpu.memory_space<vmem>>
        %dma_start3A_210 = tpu.memref_squeeze %dma_start3A_209 : memref<1x64xf32, #tpu.memory_space<vmem>> -> memref<64xf32, #tpu.memory_space<vmem>>
        %dma_start3A_211 = arith.constant 0 : i32
        %dma_start3A_212 = tpu.memref_slice %arg4[%squeeze3A_199, %dma_start3A_211] : memref<1000000x64xf32, #tpu.memory_space<hbm>> -> memref<1x64xf32, #tpu.memory_space<hbm>>
        %dma_start3A_213 = tpu.memref_squeeze %dma_start3A_212 : memref<1x64xf32, #tpu.memory_space<hbm>> -> memref<64xf32, #tpu.memory_space<hbm>>
        tpu.enqueue_dma source(%dma_start3A_213 : memref<64xf32, #tpu.memory_space<hbm>>) target(%dma_start3A_210 : memref<64xf32, #tpu.memory_space<vmem>>) target_semaphore(%arg12 : memref<!tpu.dma_semaphore, #tpu.memory_space<semaphore_mem>>)
        %slice3A_214 = vector.extract_strided_slice %get3A_38 {offsets = [5], sizes = [1], strides = [1]} : vector<16xi32> to vector<1xi32>
        %squeeze3A_215 = vector.extract %slice3A_214[0] : i32 from vector<1xi32>
        %add3A_216 = arith.constant 5 : i32
        %add3A_217 = arith.addi %mul3A_40, %add3A_216 : i32
        %dma_start3A_218 = arith.constant 0 : i32
        %dma_start3A_219 = tpu.memref_slice %arg11[%add3A_217, %dma_start3A_218] : memref<256x64xf32, #tpu.memory_space<vmem>> -> memref<1x64xf32, #tpu.memory_space<vmem>>
        %dma_start3A_220 = tpu.memref_squeeze %dma_start3A_219 : memref<1x64xf32, #tpu.memory_space<vmem>> -> memref<64xf32, #tpu.memory_space<vmem>>
        %dma_start3A_221 = arith.constant 0 : i32
        %dma_start3A_222 = tpu.memref_slice %arg5[%squeeze3A_215, %dma_start3A_221] : memref<100000x64xf32, #tpu.memory_space<hbm>> -> memref<1x64xf32, #tpu.memory_space<hbm>>
        %dma_start3A_223 = tpu.memref_squeeze %dma_start3A_222 : memref<1x64xf32, #tpu.memory_space<hbm>> -> memref<64xf32, #tpu.memory_space<hbm>>
        %dma_start3A_224 = arith.constant 0 : i32
        %dma_start3A_225 = tpu.memref_slice %arg11[%add3A_217, %dma_start3A_224] : memref<256x64xf32, #tpu.memory_space<vmem>> -> memref<1x64xf32, #tpu.memory_space<vmem>>
        %dma_start3A_226 = tpu.memref_squeeze %dma_start3A_225 : memref<1x64xf32, #tpu.memory_space<vmem>> -> memref<64xf32, #tpu.memory_space<vmem>>
        %dma_start3A_227 = arith.constant 0 : i32
        %dma_start3A_228 = tpu.memref_slice %arg5[%squeeze3A_215, %dma_start3A_227] : memref<100000x64xf32, #tpu.memory_space<hbm>> -> memref<1x64xf32, #tpu.memory_space<hbm>>
        %dma_start3A_229 = tpu.memref_squeeze %dma_start3A_228 : memref<1x64xf32, #tpu.memory_space<hbm>> -> memref<64xf32, #tpu.memory_space<hbm>>
        tpu.enqueue_dma source(%dma_start3A_229 : memref<64xf32, #tpu.memory_space<hbm>>) target(%dma_start3A_226 : memref<64xf32, #tpu.memory_space<vmem>>) target_semaphore(%arg13 : memref<!tpu.dma_semaphore, #tpu.memory_space<semaphore_mem>>)
        %slice3A_230 = vector.extract_strided_slice %get3A_35 {offsets = [6], sizes = [1], strides = [1]} : vector<16xi32> to vector<1xi32>
        %squeeze3A_231 = vector.extract %slice3A_230[0] : i32 from vector<1xi32>
        %add3A_232 = arith.constant 6 : i32
        %add3A_233 = arith.addi %mul3A_40, %add3A_232 : i32
        %dma_start3A_234 = arith.constant 0 : i32
        %dma_start3A_235 = tpu.memref_slice %arg10[%add3A_233, %dma_start3A_234] : memref<256x64xf32, #tpu.memory_space<vmem>> -> memref<1x64xf32, #tpu.memory_space<vmem>>
        %dma_start3A_236 = tpu.memref_squeeze %dma_start3A_235 : memref<1x64xf32, #tpu.memory_space<vmem>> -> memref<64xf32, #tpu.memory_space<vmem>>
        %dma_start3A_237 = arith.constant 0 : i32
        %dma_start3A_238 = tpu.memref_slice %arg4[%squeeze3A_231, %dma_start3A_237] : memref<1000000x64xf32, #tpu.memory_space<hbm>> -> memref<1x64xf32, #tpu.memory_space<hbm>>
        %dma_start3A_239 = tpu.memref_squeeze %dma_start3A_238 : memref<1x64xf32, #tpu.memory_space<hbm>> -> memref<64xf32, #tpu.memory_space<hbm>>
        %dma_start3A_240 = arith.constant 0 : i32
        %dma_start3A_241 = tpu.memref_slice %arg10[%add3A_233, %dma_start3A_240] : memref<256x64xf32, #tpu.memory_space<vmem>> -> memref<1x64xf32, #tpu.memory_space<vmem>>
        %dma_start3A_242 = tpu.memref_squeeze %dma_start3A_241 : memref<1x64xf32, #tpu.memory_space<vmem>> -> memref<64xf32, #tpu.memory_space<vmem>>
        %dma_start3A_243 = arith.constant 0 : i32
        %dma_start3A_244 = tpu.memref_slice %arg4[%squeeze3A_231, %dma_start3A_243] : memref<1000000x64xf32, #tpu.memory_space<hbm>> -> memref<1x64xf32, #tpu.memory_space<hbm>>
        %dma_start3A_245 = tpu.memref_squeeze %dma_start3A_244 : memref<1x64xf32, #tpu.memory_space<hbm>> -> memref<64xf32, #tpu.memory_space<hbm>>
        tpu.enqueue_dma source(%dma_start3A_245 : memref<64xf32, #tpu.memory_space<hbm>>) target(%dma_start3A_242 : memref<64xf32, #tpu.memory_space<vmem>>) target_semaphore(%arg12 : memref<!tpu.dma_semaphore, #tpu.memory_space<semaphore_mem>>)
        %slice3A_246 = vector.extract_strided_slice %get3A_38 {offsets = [6], sizes = [1], strides = [1]} : vector<16xi32> to vector<1xi32>
        %squeeze3A_247 = vector.extract %slice3A_246[0] : i32 from vector<1xi32>
        %add3A_248 = arith.constant 6 : i32
        %add3A_249 = arith.addi %mul3A_40, %add3A_248 : i32
        %dma_start3A_250 = arith.constant 0 : i32
        %dma_start3A_251 = tpu.memref_slice %arg11[%add3A_249, %dma_start3A_250] : memref<256x64xf32, #tpu.memory_space<vmem>> -> memref<1x64xf32, #tpu.memory_space<vmem>>
        %dma_start3A_252 = tpu.memref_squeeze %dma_start3A_251 : memref<1x64xf32, #tpu.memory_space<vmem>> -> memref<64xf32, #tpu.memory_space<vmem>>
        %dma_start3A_253 = arith.constant 0 : i32
        %dma_start3A_254 = tpu.memref_slice %arg5[%squeeze3A_247, %dma_start3A_253] : memref<100000x64xf32, #tpu.memory_space<hbm>> -> memref<1x64xf32, #tpu.memory_space<hbm>>
        %dma_start3A_255 = tpu.memref_squeeze %dma_start3A_254 : memref<1x64xf32, #tpu.memory_space<hbm>> -> memref<64xf32, #tpu.memory_space<hbm>>
        %dma_start3A_256 = arith.constant 0 : i32
        %dma_start3A_257 = tpu.memref_slice %arg11[%add3A_249, %dma_start3A_256] : memref<256x64xf32, #tpu.memory_space<vmem>> -> memref<1x64xf32, #tpu.memory_space<vmem>>
        %dma_start3A_258 = tpu.memref_squeeze %dma_start3A_257 : memref<1x64xf32, #tpu.memory_space<vmem>> -> memref<64xf32, #tpu.memory_space<vmem>>
        %dma_start3A_259 = arith.constant 0 : i32
        %dma_start3A_260 = tpu.memref_slice %arg5[%squeeze3A_247, %dma_start3A_259] : memref<100000x64xf32, #tpu.memory_space<hbm>> -> memref<1x64xf32, #tpu.memory_space<hbm>>
        %dma_start3A_261 = tpu.memref_squeeze %dma_start3A_260 : memref<1x64xf32, #tpu.memory_space<hbm>> -> memref<64xf32, #tpu.memory_space<hbm>>
        tpu.enqueue_dma source(%dma_start3A_261 : memref<64xf32, #tpu.memory_space<hbm>>) target(%dma_start3A_258 : memref<64xf32, #tpu.memory_space<vmem>>) target_semaphore(%arg13 : memref<!tpu.dma_semaphore, #tpu.memory_space<semaphore_mem>>)
        %slice3A_262 = vector.extract_strided_slice %get3A_35 {offsets = [7], sizes = [1], strides = [1]} : vector<16xi32> to vector<1xi32>
        %squeeze3A_263 = vector.extract %slice3A_262[0] : i32 from vector<1xi32>
        %add3A_264 = arith.constant 7 : i32
        %add3A_265 = arith.addi %mul3A_40, %add3A_264 : i32
        %dma_start3A_266 = arith.constant 0 : i32
        %dma_start3A_267 = tpu.memref_slice %arg10[%add3A_265, %dma_start3A_266] : memref<256x64xf32, #tpu.memory_space<vmem>> -> memref<1x64xf32, #tpu.memory_space<vmem>>
        %dma_start3A_268 = tpu.memref_squeeze %dma_start3A_267 : memref<1x64xf32, #tpu.memory_space<vmem>> -> memref<64xf32, #tpu.memory_space<vmem>>
        %dma_start3A_269 = arith.constant 0 : i32
        %dma_start3A_270 = tpu.memref_slice %arg4[%squeeze3A_263, %dma_start3A_269] : memref<1000000x64xf32, #tpu.memory_space<hbm>> -> memref<1x64xf32, #tpu.memory_space<hbm>>
        %dma_start3A_271 = tpu.memref_squeeze %dma_start3A_270 : memref<1x64xf32, #tpu.memory_space<hbm>> -> memref<64xf32, #tpu.memory_space<hbm>>
        %dma_start3A_272 = arith.constant 0 : i32
        %dma_start3A_273 = tpu.memref_slice %arg10[%add3A_265, %dma_start3A_272] : memref<256x64xf32, #tpu.memory_space<vmem>> -> memref<1x64xf32, #tpu.memory_space<vmem>>
        %dma_start3A_274 = tpu.memref_squeeze %dma_start3A_273 : memref<1x64xf32, #tpu.memory_space<vmem>> -> memref<64xf32, #tpu.memory_space<vmem>>
        %dma_start3A_275 = arith.constant 0 : i32
        %dma_start3A_276 = tpu.memref_slice %arg4[%squeeze3A_263, %dma_start3A_275] : memref<1000000x64xf32, #tpu.memory_space<hbm>> -> memref<1x64xf32, #tpu.memory_space<hbm>>
        %dma_start3A_277 = tpu.memref_squeeze %dma_start3A_276 : memref<1x64xf32, #tpu.memory_space<hbm>> -> memref<64xf32, #tpu.memory_space<hbm>>
        tpu.enqueue_dma source(%dma_start3A_277 : memref<64xf32, #tpu.memory_space<hbm>>) target(%dma_start3A_274 : memref<64xf32, #tpu.memory_space<vmem>>) target_semaphore(%arg12 : memref<!tpu.dma_semaphore, #tpu.memory_space<semaphore_mem>>)
        %slice3A_278 = vector.extract_strided_slice %get3A_38 {offsets = [7], sizes = [1], strides = [1]} : vector<16xi32> to vector<1xi32>
        %squeeze3A_279 = vector.extract %slice3A_278[0] : i32 from vector<1xi32>
        %add3A_280 = arith.constant 7 : i32
        %add3A_281 = arith.addi %mul3A_40, %add3A_280 : i32
        %dma_start3A_282 = arith.constant 0 : i32
        %dma_start3A_283 = tpu.memref_slice %arg11[%add3A_281, %dma_start3A_282] : memref<256x64xf32, #tpu.memory_space<vmem>> -> memref<1x64xf32, #tpu.memory_space<vmem>>
        %dma_start3A_284 = tpu.memref_squeeze %dma_start3A_283 : memref<1x64xf32, #tpu.memory_space<vmem>> -> memref<64xf32, #tpu.memory_space<vmem>>
        %dma_start3A_285 = arith.constant 0 : i32
        %dma_start3A_286 = tpu.memref_slice %arg5[%squeeze3A_279, %dma_start3A_285] : memref<100000x64xf32, #tpu.memory_space<hbm>> -> memref<1x64xf32, #tpu.memory_space<hbm>>
        %dma_start3A_287 = tpu.memref_squeeze %dma_start3A_286 : memref<1x64xf32, #tpu.memory_space<hbm>> -> memref<64xf32, #tpu.memory_space<hbm>>
        %dma_start3A_288 = arith.constant 0 : i32
        %dma_start3A_289 = tpu.memref_slice %arg11[%add3A_281, %dma_start3A_288] : memref<256x64xf32, #tpu.memory_space<vmem>> -> memref<1x64xf32, #tpu.memory_space<vmem>>
        %dma_start3A_290 = tpu.memref_squeeze %dma_start3A_289 : memref<1x64xf32, #tpu.memory_space<vmem>> -> memref<64xf32, #tpu.memory_space<vmem>>
        %dma_start3A_291 = arith.constant 0 : i32
        %dma_start3A_292 = tpu.memref_slice %arg5[%squeeze3A_279, %dma_start3A_291] : memref<100000x64xf32, #tpu.memory_space<hbm>> -> memref<1x64xf32, #tpu.memory_space<hbm>>
        %dma_start3A_293 = tpu.memref_squeeze %dma_start3A_292 : memref<1x64xf32, #tpu.memory_space<hbm>> -> memref<64xf32, #tpu.memory_space<hbm>>
        tpu.enqueue_dma source(%dma_start3A_293 : memref<64xf32, #tpu.memory_space<hbm>>) target(%dma_start3A_290 : memref<64xf32, #tpu.memory_space<vmem>>) target_semaphore(%arg13 : memref<!tpu.dma_semaphore, #tpu.memory_space<semaphore_mem>>)
        %slice3A_294 = vector.extract_strided_slice %get3A_35 {offsets = [8], sizes = [1], strides = [1]} : vector<16xi32> to vector<1xi32>
        %squeeze3A_295 = vector.extract %slice3A_294[0] : i32 from vector<1xi32>
        %add3A_296 = arith.constant 8 : i32
        %add3A_297 = arith.addi %mul3A_40, %add3A_296 : i32
        %dma_start3A_298 = arith.constant 0 : i32
        %dma_start3A_299 = tpu.memref_slice %arg10[%add3A_297, %dma_start3A_298] : memref<256x64xf32, #tpu.memory_space<vmem>> -> memref<1x64xf32, #tpu.memory_space<vmem>>
        %dma_start3A_300 = tpu.memref_squeeze %dma_start3A_299 : memref<1x64xf32, #tpu.memory_space<vmem>> -> memref<64xf32, #tpu.memory_space<vmem>>
        %dma_start3A_301 = arith.constant 0 : i32
        %dma_start3A_302 = tpu.memref_slice %arg4[%squeeze3A_295, %dma_start3A_301] : memref<1000000x64xf32, #tpu.memory_space<hbm>> -> memref<1x64xf32, #tpu.memory_space<hbm>>
        %dma_start3A_303 = tpu.memref_squeeze %dma_start3A_302 : memref<1x64xf32, #tpu.memory_space<hbm>> -> memref<64xf32, #tpu.memory_space<hbm>>
        %dma_start3A_304 = arith.constant 0 : i32
        %dma_start3A_305 = tpu.memref_slice %arg10[%add3A_297, %dma_start3A_304] : memref<256x64xf32, #tpu.memory_space<vmem>> -> memref<1x64xf32, #tpu.memory_space<vmem>>
        %dma_start3A_306 = tpu.memref_squeeze %dma_start3A_305 : memref<1x64xf32, #tpu.memory_space<vmem>> -> memref<64xf32, #tpu.memory_space<vmem>>
        %dma_start3A_307 = arith.constant 0 : i32
        %dma_start3A_308 = tpu.memref_slice %arg4[%squeeze3A_295, %dma_start3A_307] : memref<1000000x64xf32, #tpu.memory_space<hbm>> -> memref<1x64xf32, #tpu.memory_space<hbm>>
        %dma_start3A_309 = tpu.memref_squeeze %dma_start3A_308 : memref<1x64xf32, #tpu.memory_space<hbm>> -> memref<64xf32, #tpu.memory_space<hbm>>
        tpu.enqueue_dma source(%dma_start3A_309 : memref<64xf32, #tpu.memory_space<hbm>>) target(%dma_start3A_306 : memref<64xf32, #tpu.memory_space<vmem>>) target_semaphore(%arg12 : memref<!tpu.dma_semaphore, #tpu.memory_space<semaphore_mem>>)
        %slice3A_310 = vector.extract_strided_slice %get3A_38 {offsets = [8], sizes = [1], strides = [1]} : vector<16xi32> to vector<1xi32>
        %squeeze3A_311 = vector.extract %slice3A_310[0] : i32 from vector<1xi32>
        %add3A_312 = arith.constant 8 : i32
        %add3A_313 = arith.addi %mul3A_40, %add3A_312 : i32
        %dma_start3A_314 = arith.constant 0 : i32
        %dma_start3A_315 = tpu.memref_slice %arg11[%add3A_313, %dma_start3A_314] : memref<256x64xf32, #tpu.memory_space<vmem>> -> memref<1x64xf32, #tpu.memory_space<vmem>>
        %dma_start3A_316 = tpu.memref_squeeze %dma_start3A_315 : memref<1x64xf32, #tpu.memory_space<vmem>> -> memref<64xf32, #tpu.memory_space<vmem>>
        %dma_start3A_317 = arith.constant 0 : i32
        %dma_start3A_318 = tpu.memref_slice %arg5[%squeeze3A_311, %dma_start3A_317] : memref<100000x64xf32, #tpu.memory_space<hbm>> -> memref<1x64xf32, #tpu.memory_space<hbm>>
        %dma_start3A_319 = tpu.memref_squeeze %dma_start3A_318 : memref<1x64xf32, #tpu.memory_space<hbm>> -> memref<64xf32, #tpu.memory_space<hbm>>
        %dma_start3A_320 = arith.constant 0 : i32
        %dma_start3A_321 = tpu.memref_slice %arg11[%add3A_313, %dma_start3A_320] : memref<256x64xf32, #tpu.memory_space<vmem>> -> memref<1x64xf32, #tpu.memory_space<vmem>>
        %dma_start3A_322 = tpu.memref_squeeze %dma_start3A_321 : memref<1x64xf32, #tpu.memory_space<vmem>> -> memref<64xf32, #tpu.memory_space<vmem>>
        %dma_start3A_323 = arith.constant 0 : i32
        %dma_start3A_324 = tpu.memref_slice %arg5[%squeeze3A_311, %dma_start3A_323] : memref<100000x64xf32, #tpu.memory_space<hbm>> -> memref<1x64xf32, #tpu.memory_space<hbm>>
        %dma_start3A_325 = tpu.memref_squeeze %dma_start3A_324 : memref<1x64xf32, #tpu.memory_space<hbm>> -> memref<64xf32, #tpu.memory_space<hbm>>
        tpu.enqueue_dma source(%dma_start3A_325 : memref<64xf32, #tpu.memory_space<hbm>>) target(%dma_start3A_322 : memref<64xf32, #tpu.memory_space<vmem>>) target_semaphore(%arg13 : memref<!tpu.dma_semaphore, #tpu.memory_space<semaphore_mem>>)
        %slice3A_326 = vector.extract_strided_slice %get3A_35 {offsets = [9], sizes = [1], strides = [1]} : vector<16xi32> to vector<1xi32>
        %squeeze3A_327 = vector.extract %slice3A_326[0] : i32 from vector<1xi32>
        %add3A_328 = arith.constant 9 : i32
        %add3A_329 = arith.addi %mul3A_40, %add3A_328 : i32
        %dma_start3A_330 = arith.constant 0 : i32
        %dma_start3A_331 = tpu.memref_slice %arg10[%add3A_329, %dma_start3A_330] : memref<256x64xf32, #tpu.memory_space<vmem>> -> memref<1x64xf32, #tpu.memory_space<vmem>>
        %dma_start3A_332 = tpu.memref_squeeze %dma_start3A_331 : memref<1x64xf32, #tpu.memory_space<vmem>> -> memref<64xf32, #tpu.memory_space<vmem>>
        %dma_start3A_333 = arith.constant 0 : i32
        %dma_start3A_334 = tpu.memref_slice %arg4[%squeeze3A_327, %dma_start3A_333] : memref<1000000x64xf32, #tpu.memory_space<hbm>> -> memref<1x64xf32, #tpu.memory_space<hbm>>
        %dma_start3A_335 = tpu.memref_squeeze %dma_start3A_334 : memref<1x64xf32, #tpu.memory_space<hbm>> -> memref<64xf32, #tpu.memory_space<hbm>>
        %dma_start3A_336 = arith.constant 0 : i32
        %dma_start3A_337 = tpu.memref_slice %arg10[%add3A_329, %dma_start3A_336] : memref<256x64xf32, #tpu.memory_space<vmem>> -> memref<1x64xf32, #tpu.memory_space<vmem>>
        %dma_start3A_338 = tpu.memref_squeeze %dma_start3A_337 : memref<1x64xf32, #tpu.memory_space<vmem>> -> memref<64xf32, #tpu.memory_space<vmem>>
        %dma_start3A_339 = arith.constant 0 : i32
        %dma_start3A_340 = tpu.memref_slice %arg4[%squeeze3A_327, %dma_start3A_339] : memref<1000000x64xf32, #tpu.memory_space<hbm>> -> memref<1x64xf32, #tpu.memory_space<hbm>>
        %dma_start3A_341 = tpu.memref_squeeze %dma_start3A_340 : memref<1x64xf32, #tpu.memory_space<hbm>> -> memref<64xf32, #tpu.memory_space<hbm>>
        tpu.enqueue_dma source(%dma_start3A_341 : memref<64xf32, #tpu.memory_space<hbm>>) target(%dma_start3A_338 : memref<64xf32, #tpu.memory_space<vmem>>) target_semaphore(%arg12 : memref<!tpu.dma_semaphore, #tpu.memory_space<semaphore_mem>>)
        %slice3A_342 = vector.extract_strided_slice %get3A_38 {offsets = [9], sizes = [1], strides = [1]} : vector<16xi32> to vector<1xi32>
        %squeeze3A_343 = vector.extract %slice3A_342[0] : i32 from vector<1xi32>
        %add3A_344 = arith.constant 9 : i32
        %add3A_345 = arith.addi %mul3A_40, %add3A_344 : i32
        %dma_start3A_346 = arith.constant 0 : i32
        %dma_start3A_347 = tpu.memref_slice %arg11[%add3A_345, %dma_start3A_346] : memref<256x64xf32, #tpu.memory_space<vmem>> -> memref<1x64xf32, #tpu.memory_space<vmem>>
        %dma_start3A_348 = tpu.memref_squeeze %dma_start3A_347 : memref<1x64xf32, #tpu.memory_space<vmem>> -> memref<64xf32, #tpu.memory_space<vmem>>
        %dma_start3A_349 = arith.constant 0 : i32
        %dma_start3A_350 = tpu.memref_slice %arg5[%squeeze3A_343, %dma_start3A_349] : memref<100000x64xf32, #tpu.memory_space<hbm>> -> memref<1x64xf32, #tpu.memory_space<hbm>>
        %dma_start3A_351 = tpu.memref_squeeze %dma_start3A_350 : memref<1x64xf32, #tpu.memory_space<hbm>> -> memref<64xf32, #tpu.memory_space<hbm>>
        %dma_start3A_352 = arith.constant 0 : i32
        %dma_start3A_353 = tpu.memref_slice %arg11[%add3A_345, %dma_start3A_352] : memref<256x64xf32, #tpu.memory_space<vmem>> -> memref<1x64xf32, #tpu.memory_space<vmem>>
        %dma_start3A_354 = tpu.memref_squeeze %dma_start3A_353 : memref<1x64xf32, #tpu.memory_space<vmem>> -> memref<64xf32, #tpu.memory_space<vmem>>
        %dma_start3A_355 = arith.constant 0 : i32
        %dma_start3A_356 = tpu.memref_slice %arg5[%squeeze3A_343, %dma_start3A_355] : memref<100000x64xf32, #tpu.memory_space<hbm>> -> memref<1x64xf32, #tpu.memory_space<hbm>>
        %dma_start3A_357 = tpu.memref_squeeze %dma_start3A_356 : memref<1x64xf32, #tpu.memory_space<hbm>> -> memref<64xf32, #tpu.memory_space<hbm>>
        tpu.enqueue_dma source(%dma_start3A_357 : memref<64xf32, #tpu.memory_space<hbm>>) target(%dma_start3A_354 : memref<64xf32, #tpu.memory_space<vmem>>) target_semaphore(%arg13 : memref<!tpu.dma_semaphore, #tpu.memory_space<semaphore_mem>>)
        %slice3A_358 = vector.extract_strided_slice %get3A_35 {offsets = [10], sizes = [1], strides = [1]} : vector<16xi32> to vector<1xi32>
        %squeeze3A_359 = vector.extract %slice3A_358[0] : i32 from vector<1xi32>
        %add3A_360 = arith.constant 10 : i32
        %add3A_361 = arith.addi %mul3A_40, %add3A_360 : i32
        %dma_start3A_362 = arith.constant 0 : i32
        %dma_start3A_363 = tpu.memref_slice %arg10[%add3A_361, %dma_start3A_362] : memref<256x64xf32, #tpu.memory_space<vmem>> -> memref<1x64xf32, #tpu.memory_space<vmem>>
        %dma_start3A_364 = tpu.memref_squeeze %dma_start3A_363 : memref<1x64xf32, #tpu.memory_space<vmem>> -> memref<64xf32, #tpu.memory_space<vmem>>
        %dma_start3A_365 = arith.constant 0 : i32
        %dma_start3A_366 = tpu.memref_slice %arg4[%squeeze3A_359, %dma_start3A_365] : memref<1000000x64xf32, #tpu.memory_space<hbm>> -> memref<1x64xf32, #tpu.memory_space<hbm>>
        %dma_start3A_367 = tpu.memref_squeeze %dma_start3A_366 : memref<1x64xf32, #tpu.memory_space<hbm>> -> memref<64xf32, #tpu.memory_space<hbm>>
        %dma_start3A_368 = arith.constant 0 : i32
        %dma_start3A_369 = tpu.memref_slice %arg10[%add3A_361, %dma_start3A_368] : memref<256x64xf32, #tpu.memory_space<vmem>> -> memref<1x64xf32, #tpu.memory_space<vmem>>
        %dma_start3A_370 = tpu.memref_squeeze %dma_start3A_369 : memref<1x64xf32, #tpu.memory_space<vmem>> -> memref<64xf32, #tpu.memory_space<vmem>>
        %dma_start3A_371 = arith.constant 0 : i32
        %dma_start3A_372 = tpu.memref_slice %arg4[%squeeze3A_359, %dma_start3A_371] : memref<1000000x64xf32, #tpu.memory_space<hbm>> -> memref<1x64xf32, #tpu.memory_space<hbm>>
        %dma_start3A_373 = tpu.memref_squeeze %dma_start3A_372 : memref<1x64xf32, #tpu.memory_space<hbm>> -> memref<64xf32, #tpu.memory_space<hbm>>
        tpu.enqueue_dma source(%dma_start3A_373 : memref<64xf32, #tpu.memory_space<hbm>>) target(%dma_start3A_370 : memref<64xf32, #tpu.memory_space<vmem>>) target_semaphore(%arg12 : memref<!tpu.dma_semaphore, #tpu.memory_space<semaphore_mem>>)
        %slice3A_374 = vector.extract_strided_slice %get3A_38 {offsets = [10], sizes = [1], strides = [1]} : vector<16xi32> to vector<1xi32>
        %squeeze3A_375 = vector.extract %slice3A_374[0] : i32 from vector<1xi32>
        %add3A_376 = arith.constant 10 : i32
        %add3A_377 = arith.addi %mul3A_40, %add3A_376 : i32
        %dma_start3A_378 = arith.constant 0 : i32
        %dma_start3A_379 = tpu.memref_slice %arg11[%add3A_377, %dma_start3A_378] : memref<256x64xf32, #tpu.memory_space<vmem>> -> memref<1x64xf32, #tpu.memory_space<vmem>>
        %dma_start3A_380 = tpu.memref_squeeze %dma_start3A_379 : memref<1x64xf32, #tpu.memory_space<vmem>> -> memref<64xf32, #tpu.memory_space<vmem>>
        %dma_start3A_381 = arith.constant 0 : i32
        %dma_start3A_382 = tpu.memref_slice %arg5[%squeeze3A_375, %dma_start3A_381] : memref<100000x64xf32, #tpu.memory_space<hbm>> -> memref<1x64xf32, #tpu.memory_space<hbm>>
        %dma_start3A_383 = tpu.memref_squeeze %dma_start3A_382 : memref<1x64xf32, #tpu.memory_space<hbm>> -> memref<64xf32, #tpu.memory_space<hbm>>
        %dma_start3A_384 = arith.constant 0 : i32
        %dma_start3A_385 = tpu.memref_slice %arg11[%add3A_377, %dma_start3A_384] : memref<256x64xf32, #tpu.memory_space<vmem>> -> memref<1x64xf32, #tpu.memory_space<vmem>>
        %dma_start3A_386 = tpu.memref_squeeze %dma_start3A_385 : memref<1x64xf32, #tpu.memory_space<vmem>> -> memref<64xf32, #tpu.memory_space<vmem>>
        %dma_start3A_387 = arith.constant 0 : i32
        %dma_start3A_388 = tpu.memref_slice %arg5[%squeeze3A_375, %dma_start3A_387] : memref<100000x64xf32, #tpu.memory_space<hbm>> -> memref<1x64xf32, #tpu.memory_space<hbm>>
        %dma_start3A_389 = tpu.memref_squeeze %dma_start3A_388 : memref<1x64xf32, #tpu.memory_space<hbm>> -> memref<64xf32, #tpu.memory_space<hbm>>
        tpu.enqueue_dma source(%dma_start3A_389 : memref<64xf32, #tpu.memory_space<hbm>>) target(%dma_start3A_386 : memref<64xf32, #tpu.memory_space<vmem>>) target_semaphore(%arg13 : memref<!tpu.dma_semaphore, #tpu.memory_space<semaphore_mem>>)
        %slice3A_390 = vector.extract_strided_slice %get3A_35 {offsets = [11], sizes = [1], strides = [1]} : vector<16xi32> to vector<1xi32>
        %squeeze3A_391 = vector.extract %slice3A_390[0] : i32 from vector<1xi32>
        %add3A_392 = arith.constant 11 : i32
        %add3A_393 = arith.addi %mul3A_40, %add3A_392 : i32
        %dma_start3A_394 = arith.constant 0 : i32
        %dma_start3A_395 = tpu.memref_slice %arg10[%add3A_393, %dma_start3A_394] : memref<256x64xf32, #tpu.memory_space<vmem>> -> memref<1x64xf32, #tpu.memory_space<vmem>>
        %dma_start3A_396 = tpu.memref_squeeze %dma_start3A_395 : memref<1x64xf32, #tpu.memory_space<vmem>> -> memref<64xf32, #tpu.memory_space<vmem>>
        %dma_start3A_397 = arith.constant 0 : i32
        %dma_start3A_398 = tpu.memref_slice %arg4[%squeeze3A_391, %dma_start3A_397] : memref<1000000x64xf32, #tpu.memory_space<hbm>> -> memref<1x64xf32, #tpu.memory_space<hbm>>
        %dma_start3A_399 = tpu.memref_squeeze %dma_start3A_398 : memref<1x64xf32, #tpu.memory_space<hbm>> -> memref<64xf32, #tpu.memory_space<hbm>>
        %dma_start3A_400 = arith.constant 0 : i32
        %dma_start3A_401 = tpu.memref_slice %arg10[%add3A_393, %dma_start3A_400] : memref<256x64xf32, #tpu.memory_space<vmem>> -> memref<1x64xf32, #tpu.memory_space<vmem>>
        %dma_start3A_402 = tpu.memref_squeeze %dma_start3A_401 : memref<1x64xf32, #tpu.memory_space<vmem>> -> memref<64xf32, #tpu.memory_space<vmem>>
        %dma_start3A_403 = arith.constant 0 : i32
        %dma_start3A_404 = tpu.memref_slice %arg4[%squeeze3A_391, %dma_start3A_403] : memref<1000000x64xf32, #tpu.memory_space<hbm>> -> memref<1x64xf32, #tpu.memory_space<hbm>>
        %dma_start3A_405 = tpu.memref_squeeze %dma_start3A_404 : memref<1x64xf32, #tpu.memory_space<hbm>> -> memref<64xf32, #tpu.memory_space<hbm>>
        tpu.enqueue_dma source(%dma_start3A_405 : memref<64xf32, #tpu.memory_space<hbm>>) target(%dma_start3A_402 : memref<64xf32, #tpu.memory_space<vmem>>) target_semaphore(%arg12 : memref<!tpu.dma_semaphore, #tpu.memory_space<semaphore_mem>>)
        %slice3A_406 = vector.extract_strided_slice %get3A_38 {offsets = [11], sizes = [1], strides = [1]} : vector<16xi32> to vector<1xi32>
        %squeeze3A_407 = vector.extract %slice3A_406[0] : i32 from vector<1xi32>
        %add3A_408 = arith.constant 11 : i32
        %add3A_409 = arith.addi %mul3A_40, %add3A_408 : i32
        %dma_start3A_410 = arith.constant 0 : i32
        %dma_start3A_411 = tpu.memref_slice %arg11[%add3A_409, %dma_start3A_410] : memref<256x64xf32, #tpu.memory_space<vmem>> -> memref<1x64xf32, #tpu.memory_space<vmem>>
        %dma_start3A_412 = tpu.memref_squeeze %dma_start3A_411 : memref<1x64xf32, #tpu.memory_space<vmem>> -> memref<64xf32, #tpu.memory_space<vmem>>
        %dma_start3A_413 = arith.constant 0 : i32
        %dma_start3A_414 = tpu.memref_slice %arg5[%squeeze3A_407, %dma_start3A_413] : memref<100000x64xf32, #tpu.memory_space<hbm>> -> memref<1x64xf32, #tpu.memory_space<hbm>>
        %dma_start3A_415 = tpu.memref_squeeze %dma_start3A_414 : memref<1x64xf32, #tpu.memory_space<hbm>> -> memref<64xf32, #tpu.memory_space<hbm>>
        %dma_start3A_416 = arith.constant 0 : i32
        %dma_start3A_417 = tpu.memref_slice %arg11[%add3A_409, %dma_start3A_416] : memref<256x64xf32, #tpu.memory_space<vmem>> -> memref<1x64xf32, #tpu.memory_space<vmem>>
        %dma_start3A_418 = tpu.memref_squeeze %dma_start3A_417 : memref<1x64xf32, #tpu.memory_space<vmem>> -> memref<64xf32, #tpu.memory_space<vmem>>
        %dma_start3A_419 = arith.constant 0 : i32
        %dma_start3A_420 = tpu.memref_slice %arg5[%squeeze3A_407, %dma_start3A_419] : memref<100000x64xf32, #tpu.memory_space<hbm>> -> memref<1x64xf32, #tpu.memory_space<hbm>>
        %dma_start3A_421 = tpu.memref_squeeze %dma_start3A_420 : memref<1x64xf32, #tpu.memory_space<hbm>> -> memref<64xf32, #tpu.memory_space<hbm>>
        tpu.enqueue_dma source(%dma_start3A_421 : memref<64xf32, #tpu.memory_space<hbm>>) target(%dma_start3A_418 : memref<64xf32, #tpu.memory_space<vmem>>) target_semaphore(%arg13 : memref<!tpu.dma_semaphore, #tpu.memory_space<semaphore_mem>>)
        %slice3A_422 = vector.extract_strided_slice %get3A_35 {offsets = [12], sizes = [1], strides = [1]} : vector<16xi32> to vector<1xi32>
        %squeeze3A_423 = vector.extract %slice3A_422[0] : i32 from vector<1xi32>
        %add3A_424 = arith.constant 12 : i32
        %add3A_425 = arith.addi %mul3A_40, %add3A_424 : i32
        %dma_start3A_426 = arith.constant 0 : i32
        %dma_start3A_427 = tpu.memref_slice %arg10[%add3A_425, %dma_start3A_426] : memref<256x64xf32, #tpu.memory_space<vmem>> -> memref<1x64xf32, #tpu.memory_space<vmem>>
        %dma_start3A_428 = tpu.memref_squeeze %dma_start3A_427 : memref<1x64xf32, #tpu.memory_space<vmem>> -> memref<64xf32, #tpu.memory_space<vmem>>
        %dma_start3A_429 = arith.constant 0 : i32
        %dma_start3A_430 = tpu.memref_slice %arg4[%squeeze3A_423, %dma_start3A_429] : memref<1000000x64xf32, #tpu.memory_space<hbm>> -> memref<1x64xf32, #tpu.memory_space<hbm>>
        %dma_start3A_431 = tpu.memref_squeeze %dma_start3A_430 : memref<1x64xf32, #tpu.memory_space<hbm>> -> memref<64xf32, #tpu.memory_space<hbm>>
        %dma_start3A_432 = arith.constant 0 : i32
        %dma_start3A_433 = tpu.memref_slice %arg10[%add3A_425, %dma_start3A_432] : memref<256x64xf32, #tpu.memory_space<vmem>> -> memref<1x64xf32, #tpu.memory_space<vmem>>
        %dma_start3A_434 = tpu.memref_squeeze %dma_start3A_433 : memref<1x64xf32, #tpu.memory_space<vmem>> -> memref<64xf32, #tpu.memory_space<vmem>>
        %dma_start3A_435 = arith.constant 0 : i32
        %dma_start3A_436 = tpu.memref_slice %arg4[%squeeze3A_423, %dma_start3A_435] : memref<1000000x64xf32, #tpu.memory_space<hbm>> -> memref<1x64xf32, #tpu.memory_space<hbm>>
        %dma_start3A_437 = tpu.memref_squeeze %dma_start3A_436 : memref<1x64xf32, #tpu.memory_space<hbm>> -> memref<64xf32, #tpu.memory_space<hbm>>
        tpu.enqueue_dma source(%dma_start3A_437 : memref<64xf32, #tpu.memory_space<hbm>>) target(%dma_start3A_434 : memref<64xf32, #tpu.memory_space<vmem>>) target_semaphore(%arg12 : memref<!tpu.dma_semaphore, #tpu.memory_space<semaphore_mem>>)
        %slice3A_438 = vector.extract_strided_slice %get3A_38 {offsets = [12], sizes = [1], strides = [1]} : vector<16xi32> to vector<1xi32>
        %squeeze3A_439 = vector.extract %slice3A_438[0] : i32 from vector<1xi32>
        %add3A_440 = arith.constant 12 : i32
        %add3A_441 = arith.addi %mul3A_40, %add3A_440 : i32
        %dma_start3A_442 = arith.constant 0 : i32
        %dma_start3A_443 = tpu.memref_slice %arg11[%add3A_441, %dma_start3A_442] : memref<256x64xf32, #tpu.memory_space<vmem>> -> memref<1x64xf32, #tpu.memory_space<vmem>>
        %dma_start3A_444 = tpu.memref_squeeze %dma_start3A_443 : memref<1x64xf32, #tpu.memory_space<vmem>> -> memref<64xf32, #tpu.memory_space<vmem>>
        %dma_start3A_445 = arith.constant 0 : i32
        %dma_start3A_446 = tpu.memref_slice %arg5[%squeeze3A_439, %dma_start3A_445] : memref<100000x64xf32, #tpu.memory_space<hbm>> -> memref<1x64xf32, #tpu.memory_space<hbm>>
        %dma_start3A_447 = tpu.memref_squeeze %dma_start3A_446 : memref<1x64xf32, #tpu.memory_space<hbm>> -> memref<64xf32, #tpu.memory_space<hbm>>
        %dma_start3A_448 = arith.constant 0 : i32
        %dma_start3A_449 = tpu.memref_slice %arg11[%add3A_441, %dma_start3A_448] : memref<256x64xf32, #tpu.memory_space<vmem>> -> memref<1x64xf32, #tpu.memory_space<vmem>>
        %dma_start3A_450 = tpu.memref_squeeze %dma_start3A_449 : memref<1x64xf32, #tpu.memory_space<vmem>> -> memref<64xf32, #tpu.memory_space<vmem>>
        %dma_start3A_451 = arith.constant 0 : i32
        %dma_start3A_452 = tpu.memref_slice %arg5[%squeeze3A_439, %dma_start3A_451] : memref<100000x64xf32, #tpu.memory_space<hbm>> -> memref<1x64xf32, #tpu.memory_space<hbm>>
        %dma_start3A_453 = tpu.memref_squeeze %dma_start3A_452 : memref<1x64xf32, #tpu.memory_space<hbm>> -> memref<64xf32, #tpu.memory_space<hbm>>
        tpu.enqueue_dma source(%dma_start3A_453 : memref<64xf32, #tpu.memory_space<hbm>>) target(%dma_start3A_450 : memref<64xf32, #tpu.memory_space<vmem>>) target_semaphore(%arg13 : memref<!tpu.dma_semaphore, #tpu.memory_space<semaphore_mem>>)
        %slice3A_454 = vector.extract_strided_slice %get3A_35 {offsets = [13], sizes = [1], strides = [1]} : vector<16xi32> to vector<1xi32>
        %squeeze3A_455 = vector.extract %slice3A_454[0] : i32 from vector<1xi32>
        %add3A_456 = arith.constant 13 : i32
        %add3A_457 = arith.addi %mul3A_40, %add3A_456 : i32
        %dma_start3A_458 = arith.constant 0 : i32
        %dma_start3A_459 = tpu.memref_slice %arg10[%add3A_457, %dma_start3A_458] : memref<256x64xf32, #tpu.memory_space<vmem>> -> memref<1x64xf32, #tpu.memory_space<vmem>>
        %dma_start3A_460 = tpu.memref_squeeze %dma_start3A_459 : memref<1x64xf32, #tpu.memory_space<vmem>> -> memref<64xf32, #tpu.memory_space<vmem>>
        %dma_start3A_461 = arith.constant 0 : i32
        %dma_start3A_462 = tpu.memref_slice %arg4[%squeeze3A_455, %dma_start3A_461] : memref<1000000x64xf32, #tpu.memory_space<hbm>> -> memref<1x64xf32, #tpu.memory_space<hbm>>
        %dma_start3A_463 = tpu.memref_squeeze %dma_start3A_462 : memref<1x64xf32, #tpu.memory_space<hbm>> -> memref<64xf32, #tpu.memory_space<hbm>>
        %dma_start3A_464 = arith.constant 0 : i32
        %dma_start3A_465 = tpu.memref_slice %arg10[%add3A_457, %dma_start3A_464] : memref<256x64xf32, #tpu.memory_space<vmem>> -> memref<1x64xf32, #tpu.memory_space<vmem>>
        %dma_start3A_466 = tpu.memref_squeeze %dma_start3A_465 : memref<1x64xf32, #tpu.memory_space<vmem>> -> memref<64xf32, #tpu.memory_space<vmem>>
        %dma_start3A_467 = arith.constant 0 : i32
        %dma_start3A_468 = tpu.memref_slice %arg4[%squeeze3A_455, %dma_start3A_467] : memref<1000000x64xf32, #tpu.memory_space<hbm>> -> memref<1x64xf32, #tpu.memory_space<hbm>>
        %dma_start3A_469 = tpu.memref_squeeze %dma_start3A_468 : memref<1x64xf32, #tpu.memory_space<hbm>> -> memref<64xf32, #tpu.memory_space<hbm>>
        tpu.enqueue_dma source(%dma_start3A_469 : memref<64xf32, #tpu.memory_space<hbm>>) target(%dma_start3A_466 : memref<64xf32, #tpu.memory_space<vmem>>) target_semaphore(%arg12 : memref<!tpu.dma_semaphore, #tpu.memory_space<semaphore_mem>>)
        %slice3A_470 = vector.extract_strided_slice %get3A_38 {offsets = [13], sizes = [1], strides = [1]} : vector<16xi32> to vector<1xi32>
        %squeeze3A_471 = vector.extract %slice3A_470[0] : i32 from vector<1xi32>
        %add3A_472 = arith.constant 13 : i32
        %add3A_473 = arith.addi %mul3A_40, %add3A_472 : i32
        %dma_start3A_474 = arith.constant 0 : i32
        %dma_start3A_475 = tpu.memref_slice %arg11[%add3A_473, %dma_start3A_474] : memref<256x64xf32, #tpu.memory_space<vmem>> -> memref<1x64xf32, #tpu.memory_space<vmem>>
        %dma_start3A_476 = tpu.memref_squeeze %dma_start3A_475 : memref<1x64xf32, #tpu.memory_space<vmem>> -> memref<64xf32, #tpu.memory_space<vmem>>
        %dma_start3A_477 = arith.constant 0 : i32
        %dma_start3A_478 = tpu.memref_slice %arg5[%squeeze3A_471, %dma_start3A_477] : memref<100000x64xf32, #tpu.memory_space<hbm>> -> memref<1x64xf32, #tpu.memory_space<hbm>>
        %dma_start3A_479 = tpu.memref_squeeze %dma_start3A_478 : memref<1x64xf32, #tpu.memory_space<hbm>> -> memref<64xf32, #tpu.memory_space<hbm>>
        %dma_start3A_480 = arith.constant 0 : i32
        %dma_start3A_481 = tpu.memref_slice %arg11[%add3A_473, %dma_start3A_480] : memref<256x64xf32, #tpu.memory_space<vmem>> -> memref<1x64xf32, #tpu.memory_space<vmem>>
        %dma_start3A_482 = tpu.memref_squeeze %dma_start3A_481 : memref<1x64xf32, #tpu.memory_space<vmem>> -> memref<64xf32, #tpu.memory_space<vmem>>
        %dma_start3A_483 = arith.constant 0 : i32
        %dma_start3A_484 = tpu.memref_slice %arg5[%squeeze3A_471, %dma_start3A_483] : memref<100000x64xf32, #tpu.memory_space<hbm>> -> memref<1x64xf32, #tpu.memory_space<hbm>>
        %dma_start3A_485 = tpu.memref_squeeze %dma_start3A_484 : memref<1x64xf32, #tpu.memory_space<hbm>> -> memref<64xf32, #tpu.memory_space<hbm>>
        tpu.enqueue_dma source(%dma_start3A_485 : memref<64xf32, #tpu.memory_space<hbm>>) target(%dma_start3A_482 : memref<64xf32, #tpu.memory_space<vmem>>) target_semaphore(%arg13 : memref<!tpu.dma_semaphore, #tpu.memory_space<semaphore_mem>>)
        %slice3A_486 = vector.extract_strided_slice %get3A_35 {offsets = [14], sizes = [1], strides = [1]} : vector<16xi32> to vector<1xi32>
        %squeeze3A_487 = vector.extract %slice3A_486[0] : i32 from vector<1xi32>
        %add3A_488 = arith.constant 14 : i32
        %add3A_489 = arith.addi %mul3A_40, %add3A_488 : i32
        %dma_start3A_490 = arith.constant 0 : i32
        %dma_start3A_491 = tpu.memref_slice %arg10[%add3A_489, %dma_start3A_490] : memref<256x64xf32, #tpu.memory_space<vmem>> -> memref<1x64xf32, #tpu.memory_space<vmem>>
        %dma_start3A_492 = tpu.memref_squeeze %dma_start3A_491 : memref<1x64xf32, #tpu.memory_space<vmem>> -> memref<64xf32, #tpu.memory_space<vmem>>
        %dma_start3A_493 = arith.constant 0 : i32
        %dma_start3A_494 = tpu.memref_slice %arg4[%squeeze3A_487, %dma_start3A_493] : memref<1000000x64xf32, #tpu.memory_space<hbm>> -> memref<1x64xf32, #tpu.memory_space<hbm>>
        %dma_start3A_495 = tpu.memref_squeeze %dma_start3A_494 : memref<1x64xf32, #tpu.memory_space<hbm>> -> memref<64xf32, #tpu.memory_space<hbm>>
        %dma_start3A_496 = arith.constant 0 : i32
        %dma_start3A_497 = tpu.memref_slice %arg10[%add3A_489, %dma_start3A_496] : memref<256x64xf32, #tpu.memory_space<vmem>> -> memref<1x64xf32, #tpu.memory_space<vmem>>
        %dma_start3A_498 = tpu.memref_squeeze %dma_start3A_497 : memref<1x64xf32, #tpu.memory_space<vmem>> -> memref<64xf32, #tpu.memory_space<vmem>>
        %dma_start3A_499 = arith.constant 0 : i32
        %dma_start3A_500 = tpu.memref_slice %arg4[%squeeze3A_487, %dma_start3A_499] : memref<1000000x64xf32, #tpu.memory_space<hbm>> -> memref<1x64xf32, #tpu.memory_space<hbm>>
        %dma_start3A_501 = tpu.memref_squeeze %dma_start3A_500 : memref<1x64xf32, #tpu.memory_space<hbm>> -> memref<64xf32, #tpu.memory_space<hbm>>
        tpu.enqueue_dma source(%dma_start3A_501 : memref<64xf32, #tpu.memory_space<hbm>>) target(%dma_start3A_498 : memref<64xf32, #tpu.memory_space<vmem>>) target_semaphore(%arg12 : memref<!tpu.dma_semaphore, #tpu.memory_space<semaphore_mem>>)
        %slice3A_502 = vector.extract_strided_slice %get3A_38 {offsets = [14], sizes = [1], strides = [1]} : vector<16xi32> to vector<1xi32>
        %squeeze3A_503 = vector.extract %slice3A_502[0] : i32 from vector<1xi32>
        %add3A_504 = arith.constant 14 : i32
        %add3A_505 = arith.addi %mul3A_40, %add3A_504 : i32
        %dma_start3A_506 = arith.constant 0 : i32
        %dma_start3A_507 = tpu.memref_slice %arg11[%add3A_505, %dma_start3A_506] : memref<256x64xf32, #tpu.memory_space<vmem>> -> memref<1x64xf32, #tpu.memory_space<vmem>>
        %dma_start3A_508 = tpu.memref_squeeze %dma_start3A_507 : memref<1x64xf32, #tpu.memory_space<vmem>> -> memref<64xf32, #tpu.memory_space<vmem>>
        %dma_start3A_509 = arith.constant 0 : i32
        %dma_start3A_510 = tpu.memref_slice %arg5[%squeeze3A_503, %dma_start3A_509] : memref<100000x64xf32, #tpu.memory_space<hbm>> -> memref<1x64xf32, #tpu.memory_space<hbm>>
        %dma_start3A_511 = tpu.memref_squeeze %dma_start3A_510 : memref<1x64xf32, #tpu.memory_space<hbm>> -> memref<64xf32, #tpu.memory_space<hbm>>
        %dma_start3A_512 = arith.constant 0 : i32
        %dma_start3A_513 = tpu.memref_slice %arg11[%add3A_505, %dma_start3A_512] : memref<256x64xf32, #tpu.memory_space<vmem>> -> memref<1x64xf32, #tpu.memory_space<vmem>>
        %dma_start3A_514 = tpu.memref_squeeze %dma_start3A_513 : memref<1x64xf32, #tpu.memory_space<vmem>> -> memref<64xf32, #tpu.memory_space<vmem>>
        %dma_start3A_515 = arith.constant 0 : i32
        %dma_start3A_516 = tpu.memref_slice %arg5[%squeeze3A_503, %dma_start3A_515] : memref<100000x64xf32, #tpu.memory_space<hbm>> -> memref<1x64xf32, #tpu.memory_space<hbm>>
        %dma_start3A_517 = tpu.memref_squeeze %dma_start3A_516 : memref<1x64xf32, #tpu.memory_space<hbm>> -> memref<64xf32, #tpu.memory_space<hbm>>
        tpu.enqueue_dma source(%dma_start3A_517 : memref<64xf32, #tpu.memory_space<hbm>>) target(%dma_start3A_514 : memref<64xf32, #tpu.memory_space<vmem>>) target_semaphore(%arg13 : memref<!tpu.dma_semaphore, #tpu.memory_space<semaphore_mem>>)
        %slice3A_518 = vector.extract_strided_slice %get3A_35 {offsets = [15], sizes = [1], strides = [1]} : vector<16xi32> to vector<1xi32>
        %squeeze3A_519 = vector.extract %slice3A_518[0] : i32 from vector<1xi32>
        %add3A_520 = arith.constant 15 : i32
        %add3A_521 = arith.addi %mul3A_40, %add3A_520 : i32
        %dma_start3A_522 = arith.constant 0 : i32
        %dma_start3A_523 = tpu.memref_slice %arg10[%add3A_521, %dma_start3A_522] : memref<256x64xf32, #tpu.memory_space<vmem>> -> memref<1x64xf32, #tpu.memory_space<vmem>>
        %dma_start3A_524 = tpu.memref_squeeze %dma_start3A_523 : memref<1x64xf32, #tpu.memory_space<vmem>> -> memref<64xf32, #tpu.memory_space<vmem>>
        %dma_start3A_525 = arith.constant 0 : i32
        %dma_start3A_526 = tpu.memref_slice %arg4[%squeeze3A_519, %dma_start3A_525] : memref<1000000x64xf32, #tpu.memory_space<hbm>> -> memref<1x64xf32, #tpu.memory_space<hbm>>
        %dma_start3A_527 = tpu.memref_squeeze %dma_start3A_526 : memref<1x64xf32, #tpu.memory_space<hbm>> -> memref<64xf32, #tpu.memory_space<hbm>>
        %dma_start3A_528 = arith.constant 0 : i32
        %dma_start3A_529 = tpu.memref_slice %arg10[%add3A_521, %dma_start3A_528] : memref<256x64xf32, #tpu.memory_space<vmem>> -> memref<1x64xf32, #tpu.memory_space<vmem>>
        %dma_start3A_530 = tpu.memref_squeeze %dma_start3A_529 : memref<1x64xf32, #tpu.memory_space<vmem>> -> memref<64xf32, #tpu.memory_space<vmem>>
        %dma_start3A_531 = arith.constant 0 : i32
        %dma_start3A_532 = tpu.memref_slice %arg4[%squeeze3A_519, %dma_start3A_531] : memref<1000000x64xf32, #tpu.memory_space<hbm>> -> memref<1x64xf32, #tpu.memory_space<hbm>>
        %dma_start3A_533 = tpu.memref_squeeze %dma_start3A_532 : memref<1x64xf32, #tpu.memory_space<hbm>> -> memref<64xf32, #tpu.memory_space<hbm>>
        tpu.enqueue_dma source(%dma_start3A_533 : memref<64xf32, #tpu.memory_space<hbm>>) target(%dma_start3A_530 : memref<64xf32, #tpu.memory_space<vmem>>) target_semaphore(%arg12 : memref<!tpu.dma_semaphore, #tpu.memory_space<semaphore_mem>>)
        %slice3A_534 = vector.extract_strided_slice %get3A_38 {offsets = [15], sizes = [1], strides = [1]} : vector<16xi32> to vector<1xi32>
        %squeeze3A_535 = vector.extract %slice3A_534[0] : i32 from vector<1xi32>
        %add3A_536 = arith.constant 15 : i32
        %add3A_537 = arith.addi %mul3A_40, %add3A_536 : i32
        %dma_start3A_538 = arith.constant 0 : i32
        %dma_start3A_539 = tpu.memref_slice %arg11[%add3A_537, %dma_start3A_538] : memref<256x64xf32, #tpu.memory_space<vmem>> -> memref<1x64xf32, #tpu.memory_space<vmem>>
        %dma_start3A_540 = tpu.memref_squeeze %dma_start3A_539 : memref<1x64xf32, #tpu.memory_space<vmem>> -> memref<64xf32, #tpu.memory_space<vmem>>
        %dma_start3A_541 = arith.constant 0 : i32
        %dma_start3A_542 = tpu.memref_slice %arg5[%squeeze3A_535, %dma_start3A_541] : memref<100000x64xf32, #tpu.memory_space<hbm>> -> memref<1x64xf32, #tpu.memory_space<hbm>>
        %dma_start3A_543 = tpu.memref_squeeze %dma_start3A_542 : memref<1x64xf32, #tpu.memory_space<hbm>> -> memref<64xf32, #tpu.memory_space<hbm>>
        %dma_start3A_544 = arith.constant 0 : i32
        %dma_start3A_545 = tpu.memref_slice %arg11[%add3A_537, %dma_start3A_544] : memref<256x64xf32, #tpu.memory_space<vmem>> -> memref<1x64xf32, #tpu.memory_space<vmem>>
        %dma_start3A_546 = tpu.memref_squeeze %dma_start3A_545 : memref<1x64xf32, #tpu.memory_space<vmem>> -> memref<64xf32, #tpu.memory_space<vmem>>
        %dma_start3A_547 = arith.constant 0 : i32
        %dma_start3A_548 = tpu.memref_slice %arg5[%squeeze3A_535, %dma_start3A_547] : memref<100000x64xf32, #tpu.memory_space<hbm>> -> memref<1x64xf32, #tpu.memory_space<hbm>>
        %dma_start3A_549 = tpu.memref_squeeze %dma_start3A_548 : memref<1x64xf32, #tpu.memory_space<hbm>> -> memref<64xf32, #tpu.memory_space<hbm>>
        tpu.enqueue_dma source(%dma_start3A_549 : memref<64xf32, #tpu.memory_space<hbm>>) target(%dma_start3A_546 : memref<64xf32, #tpu.memory_space<vmem>>) target_semaphore(%arg13 : memref<!tpu.dma_semaphore, #tpu.memory_space<semaphore_mem>>)
      }
      %scan3A_16 = arith.constant 16 : i32
      %dma_wait3A = arith.constant 0 : i32
      %dma_wait3A_17 = arith.constant 0 : i32
      %dma_wait3A_18 = tpu.memref_slice %arg4[%dma_wait3A, %dma_wait3A_17] : memref<1000000x64xf32, #tpu.memory_space<hbm>> -> memref<256x64xf32, #tpu.memory_space<hbm>>
      %dma_wait3A_19 = arith.constant 0 : i32
      %dma_wait3A_20 = arith.constant 0 : i32
      %dma_wait3A_21 = tpu.memref_slice %arg4[%dma_wait3A_19, %dma_wait3A_20] : memref<1000000x64xf32, #tpu.memory_space<hbm>> -> memref<256x64xf32, #tpu.memory_space<hbm>>
      tpu.wait_dma2 semaphore(%arg12 : memref<!tpu.dma_semaphore, #tpu.memory_space<semaphore_mem>>) src(%dma_wait3A_21 : memref<256x64xf32, #tpu.memory_space<hbm>>) dst(%arg10 : memref<256x64xf32, #tpu.memory_space<vmem>>)
      %add3A_22 = arith.addi %mul3A_2, %mul3A_10 : i32
      "tpu.region"() ({
        %run_scoped3A = tpu.sem_alloc : memref<!tpu.dma_semaphore, #tpu.memory_space<semaphore_mem>>
        %dma_start3A = arith.constant 0 : i32
        %dma_start3A_30 = tpu.memref_slice %arg6[%add3A_22, %dma_start3A] : memref<16384x64xf32, #tpu.memory_space<hbm>> -> memref<256x64xf32, #tpu.memory_space<hbm>>
        %dma_start3A_31 = arith.constant 0 : i32
        %dma_start3A_32 = tpu.memref_slice %arg6[%add3A_22, %dma_start3A_31] : memref<16384x64xf32, #tpu.memory_space<hbm>> -> memref<256x64xf32, #tpu.memory_space<hbm>>
        tpu.enqueue_dma source(%arg10 : memref<256x64xf32, #tpu.memory_space<vmem>>) target(%dma_start3A_32 : memref<256x64xf32, #tpu.memory_space<hbm>>) target_semaphore(%run_scoped3A : memref<!tpu.dma_semaphore, #tpu.memory_space<semaphore_mem>>)
        %dma_wait3A_33 = arith.constant 0 : i32
        %dma_wait3A_34 = tpu.memref_slice %arg6[%add3A_22, %dma_wait3A_33] : memref<16384x64xf32, #tpu.memory_space<hbm>> -> memref<256x64xf32, #tpu.memory_space<hbm>>
        %dma_wait3A_35 = arith.constant 0 : i32
        %dma_wait3A_36 = tpu.memref_slice %arg6[%add3A_22, %dma_wait3A_35] : memref<16384x64xf32, #tpu.memory_space<hbm>> -> memref<256x64xf32, #tpu.memory_space<hbm>>
        tpu.wait_dma2 semaphore(%run_scoped3A : memref<!tpu.dma_semaphore, #tpu.memory_space<semaphore_mem>>) src(%arg10 : memref<256x64xf32, #tpu.memory_space<vmem>>) dst(%dma_wait3A_36 : memref<256x64xf32, #tpu.memory_space<hbm>>)
        tpu.yield
      }) : () -> ()
      %dma_wait3A_23 = arith.constant 0 : i32
      %dma_wait3A_24 = arith.constant 0 : i32
      %dma_wait3A_25 = tpu.memref_slice %arg5[%dma_wait3A_23, %dma_wait3A_24] : memref<100000x64xf32, #tpu.memory_space<hbm>> -> memref<256x64xf32, #tpu.memory_space<hbm>>
      %dma_wait3A_26 = arith.constant 0 : i32
      %dma_wait3A_27 = arith.constant 0 : i32
      %dma_wait3A_28 = tpu.memref_slice %arg5[%dma_wait3A_26, %dma_wait3A_27] : memref<100000x64xf32, #tpu.memory_space<hbm>> -> memref<256x64xf32, #tpu.memory_space<hbm>>
      tpu.wait_dma2 semaphore(%arg13 : memref<!tpu.dma_semaphore, #tpu.memory_space<semaphore_mem>>) src(%dma_wait3A_28 : memref<256x64xf32, #tpu.memory_space<hbm>>) dst(%arg11 : memref<256x64xf32, #tpu.memory_space<vmem>>)
      %add3A_29 = arith.addi %mul3A_2, %mul3A_10 : i32
      "tpu.region"() ({
        %run_scoped3A = tpu.sem_alloc : memref<!tpu.dma_semaphore, #tpu.memory_space<semaphore_mem>>
        %dma_start3A = arith.constant 0 : i32
        %dma_start3A_30 = tpu.memref_slice %arg7[%add3A_29, %dma_start3A] : memref<16384x64xf32, #tpu.memory_space<hbm>> -> memref<256x64xf32, #tpu.memory_space<hbm>>
        %dma_start3A_31 = arith.constant 0 : i32
        %dma_start3A_32 = tpu.memref_slice %arg7[%add3A_29, %dma_start3A_31] : memref<16384x64xf32, #tpu.memory_space<hbm>> -> memref<256x64xf32, #tpu.memory_space<hbm>>
        tpu.enqueue_dma source(%arg11 : memref<256x64xf32, #tpu.memory_space<vmem>>) target(%dma_start3A_32 : memref<256x64xf32, #tpu.memory_space<hbm>>) target_semaphore(%run_scoped3A : memref<!tpu.dma_semaphore, #tpu.memory_space<semaphore_mem>>)
        %dma_wait3A_33 = arith.constant 0 : i32
        %dma_wait3A_34 = tpu.memref_slice %arg7[%add3A_29, %dma_wait3A_33] : memref<16384x64xf32, #tpu.memory_space<hbm>> -> memref<256x64xf32, #tpu.memory_space<hbm>>
        %dma_wait3A_35 = arith.constant 0 : i32
        %dma_wait3A_36 = tpu.memref_slice %arg7[%add3A_29, %dma_wait3A_35] : memref<16384x64xf32, #tpu.memory_space<hbm>> -> memref<256x64xf32, #tpu.memory_space<hbm>>
        tpu.wait_dma2 semaphore(%run_scoped3A : memref<!tpu.dma_semaphore, #tpu.memory_space<semaphore_mem>>) src(%arg11 : memref<256x64xf32, #tpu.memory_space<vmem>>) dst(%dma_wait3A_36 : memref<256x64xf32, #tpu.memory_space<hbm>>)
        tpu.yield
      }) : () -> ()
    }
    %scan3A_7 = arith.constant 2 : i32
    return
  }
}

</mosaic_0001>

<sc_bundles>
// kernel: kernel.3.cloned.1.call-start
scs
__scs_entry_jumppad:
0x0: {  	(pc) =	sbr.rel $0x88, $3  }
0x1: {  	(tag) =	ssettag $0x0;
	lr =	simm.s32 $0x1  }
0x2: {  	[smem:$0x3F9D] =	sst lr;
	_ =	strace $0xD0000000  }
0x3: {  	_ = 	snop  }
0x4: {  	_ = 	snop  }
0x5: {  	_ = 	snop  }
0x6: {  	_ = 	snop  }
0x7: {  	_ = 	snop  }
__scs_overlays_trampoline_lowered:
0x8: {  	[smem:$0x3FAC] =	sst s0  }
0x9: {  	[smem:$0x3FAD] =	sst s1  }
0xa: {  	[smem:$0x3FAE] =	sst s2  }
0xb: {  	[smem:$0x3FAF] =	sst s3  }
0xc: {  	[smem:$0x3FB0] =	sst s4  }
0xd: {  	[smem:$0x3FB1] =	sst s5  }
0xe: {  	[smem:$0x3FB2] =	sst s6  }
0xf: {  	[smem:$0x3FB3] =	sst s7  }
0x10: {  	[smem:$0x3FB4] =	sst s8  }
0x11: {  	[smem:$0x3FB5] =	sst s9;
	s0 =	simm.s32 @!p0 $0x0  }
0x12: {  	s1 =	sld [smem:$0x3F9B];
	s0 =	simm.s32 @p0 $0x1  }
0x13: {  	[smem:$0x3FB6] =	sst s0;
	s0 =	simm.s32 @!p1 $0x0  }
0x14: {  	s2 =	sld [smem:$0x3F9A];
	s0 =	simm.s32 @p1 $0x1  }
0x15: {  	[smem:$0x3FB7] =	sst s0;
	s0 =	simm.s32 @!p2 $0x0  }
0x16: {  	s3 =	sld [smem:$0x3FDB];
	s0 =	simm.s32 @p2 $0x1  }
0x17: {  	s4 =	simm.s32 $0x1BF5;
	[smem:$0x3FB9] =	sst s0  }
0x18: {  	s0 =	sld [smem:$0x3F9C];
	_ =	swait.ge [sflag:s4], $0x0  }
0x19: {  	s7 =	sld [smem:$0x3F9D]  }
0x1a: {  	s8 =	sadd.s32 $0xFFFFE003, lr  }
0x1b: {  	s9 =	sadd.s32 $0xFFFFFEF7, lr;
	s5 =	simm.s32 $0xFFFFFFFF;
	p2 =	slt.u32 s8, $0xFFFFF086  }
0x1c: {  	p1 =	slt.u32 s9, $0xF7A;
	s5 =	simm.s32 @!p2 $0x0  }
0x1d: {  	s5 =	simm.s32 @p1 $0x1;
	p0 =	seq.s32 s7, s2  }
0x1e: {  	s7 =	smul.u32 @!p0 $0xF7A, s2;
	p2 =	seq.s32 @!p0 s5, $0x0  }
0x1f: {  	s9 =	smul.u32 $0xF7A, s1;
	s8 =	simm.s32 @!p0 $0x1BF5;
	p2 =	por !p2, p0  }
0x20: {  	[sflag:s8] =	ssyncset.s32 @!p0 $0xFFFFF086;
	s6 =	sadd.s32 @!p0 s3, s7;
	s7 =	simm.s32 @!p0 $0x108  }
0x21: {  	s3 =	sadd.s32 s3, s9;
	s6 =	sadd.s32 @!p0 $0x88, s6;
	s7 =	simm.s32 @p2 $0x1082  }
0x22: {  	[simem:s7], [sflag:s8] =	dma.local @!p0 [hbm:s6], $0xF7A  }
0x23: {  	s9 =	sor.u32 $0xD0000000, s2;
	s6 =	simm.s32 $0x108;
	_ =	swait.ge @!p0 [sflag:s8], $0x0  }
0x24: {  	s3 =	sadd.s32 $0x88, s3;
	s6 =	simm.s32 @!p1 $0x1082;
	[sflag:s4] =	ssyncset.s32 $0xFFFFF086  }
0x25: {  	[simem:s6], [sflag:s4] =	dma.local [hbm:s3], $0xF7A  }
0x26: {  	[smem:$0x3F9D] =	sst s1;
	(tag) =	ssettag s2;
	_ =	strace s9  }
0x27: {  	s1 =	sld [smem:$0x3FAD]  }
0x28: {  	s2 =	sld [smem:$0x3FAE]  }
0x29: {  	s4 =	sld [smem:$0x3FB0]  }
0x2a: {  	p0 =	seq.s32 s5, $0x0;
	s5 =	sld [smem:$0x3FB1]  }
0x2b: {  	s6 =	sld [smem:$0x3FB2]  }
0x2c: {  	s7 =	sld [smem:$0x3FB3]  }
0x2d: {  	s3 =	simm.s32 $0x108;
	s8 =	sld [smem:$0x3FB4]  }
0x2e: {  	s3 =	simm.s32 @!p0 $0x1082;
	s9 =	sld [smem:$0x3FB5]  }
0x2f: {  	lr =	sadd.s32 s0, s3;
	s0 =	sld [smem:$0x3FAC]  }
0x30: {  	s3 =	sld [smem:$0x3FAF]  }
0x31: {  	[smem:$0x3FB8] =	sst s10  }
0x32: {  	s10 =	sld [smem:$0x3FB6];
	_ =	sdelay $0x3  }
0x33: {  	p0 =	seq.s32 s10, $0x1;
	s10 =	sld [smem:$0x3FB8];
	_ =	sdelay $0x3  }
0x34: {  	[smem:$0x3FB8] =	sst s10  }
0x35: {  	s10 =	sld [smem:$0x3FB7];
	_ =	sdelay $0x3  }
0x36: {  	p1 =	seq.s32 s10, $0x1;
	s10 =	sld [smem:$0x3FB8];
	_ =	sdelay $0x3  }
0x37: {  	[smem:$0x3FB8] =	sst s10  }
0x38: {  	s10 =	sld [smem:$0x3FB9]  }
0x39: {  	_ = 	snop;
	(pc) =	sbr.ind lr, $3  }
0x3a: {  	_ = 	snop  }
0x3b: {  	_ = 	snop  }
0x3c: {  	p2 =	seq.s32 s10, $0x1;
	s10 =	sld [smem:$0x3FB8]  }
0x3d: {  	_ =	shalt  }
0x3e: {  	_ =	shalt  }
0x3f: {  	_ =	shalt  }
0x40: {  	_ =	shalt  }
0x41: {  	_ =	shalt  }
0x42: {  	_ =	shalt  }
0x43: {  	_ =	shalt  }
0x44: {  	_ =	shalt  }
0x45: {  	_ =	shalt  }
0x46: {  	_ =	shalt  }
0x47: {  	_ =	shalt  }
0x48: {  	_ =	shalt  }
0x49: {  	_ =	shalt  }
0x4a: {  	_ =	shalt  }
0x4b: {  	_ =	shalt  }
0x4c: {  	_ =	shalt  }
0x4d: {  	_ =	shalt  }
0x4e: {  	_ =	shalt  }
0x4f: {  	_ =	shalt  }
0x50: {  	_ =	shalt  }
0x51: {  	_ =	shalt  }
0x52: {  	_ =	shalt  }
0x53: {  	_ =	shalt  }
0x54: {  	_ =	shalt  }
0x55: {  	_ =	shalt  }
0x56: {  	_ =	shalt  }
0x57: {  	_ =	shalt  }
0x58: {  	_ =	shalt  }
0x59: {  	_ =	shalt  }
0x5a: {  	_ =	shalt  }
0x5b: {  	_ =	shalt  }
0x5c: {  	_ =	shalt  }
0x5d: {  	_ =	shalt  }
0x5e: {  	_ =	shalt  }
0x5f: {  	_ =	shalt  }
0x60: {  	_ =	shalt  }
0x61: {  	_ =	shalt  }
0x62: {  	_ =	shalt  }
0x63: {  	_ =	shalt  }
0x64: {  	_ =	shalt  }
0x65: {  	_ =	shalt  }
0x66: {  	_ =	shalt  }
0x67: {  	_ =	shalt  }
0x68: {  	_ =	shalt  }
0x69: {  	_ =	shalt  }
0x6a: {  	_ =	shalt  }
0x6b: {  	_ =	shalt  }
0x6c: {  	_ =	shalt  }
0x6d: {  	_ =	shalt  }
0x6e: {  	_ =	shalt  }
0x6f: {  	_ =	shalt  }
0x70: {  	_ =	shalt  }
0x71: {  	_ =	shalt  }
0x72: {  	_ =	shalt  }
0x73: {  	_ =	shalt  }
0x74: {  	_ =	shalt  }
0x75: {  	_ =	shalt  }
0x76: {  	_ =	shalt  }
0x77: {  	_ =	shalt  }
0x78: {  	_ =	shalt  }
0x79: {  	_ =	shalt  }
0x7a: {  	_ =	shalt  }
0x7b: {  	_ =	shalt  }
0x7c: {  	_ =	shalt  }
0x7d: {  	_ =	shalt  }
0x7e: {  	_ =	shalt  }
0x7f: {  	_ =	shalt  }
0x80: {  	_ =	shalt  }
0x81: {  	_ =	shalt  }
0x82: {  	_ =	shalt  }
0x83: {  	_ =	shalt  }
0x84: {  	_ =	shalt  }
0x85: {  	_ =	shalt  }
0x86: {  	_ =	shalt  }
0x87: {  	_ =	shalt  }
.Lfunc_end0:
.L_simem_size_0:
called_computation_lowered:
.L_overlay_start_0:
0x88: {  	s2 =	sld [smem:$0x3FD9]  }
0x89: {  	s3 =	sld [smem:$0x3FFE];
	_ =	sdelay $0x1  }
0x8a: {  	s1 =	srdreg.scid  }
0x8b: {  	s0 =	sand.u32 $0x1, s1  }
0x8c: {  	s17 =	sshll.u32 s0, $0xA;
	s2 =	sadd.s32 s3, s2  }
0x8d: {  	s2 =	sadd.s32 s2, s17  }
0x8e: {  	[smem:$0x3FC4] =	sst s2  }
0x8f: {  	_ = 	snop  }
0x90: {  	s2 =	sld [smem:$0x3FC9]  }
0x91: {  	s18 =	sld [smem:$0x3FC8];
	(tm) =	ssettm $0x1  }
0x92: {  	s4 =	sld [smem:$0x3FFB];
	_ =	sdelay $0x3  }
0x93: {  	_ =	strace s4  }
0x94: {  	s4 =	sld [smem:$0x3FFC];
	_ =	sdelay $0x3  }
0x95: {  	_ =	strace s4  }
0x96: {  	s4 =	sld [smem:$0x3FFD];
	_ =	sdelay $0x3  }
0x97: {  	_ =	strace s4  }
0x98: {  	_ =	strace $0x8FFFFFFF  }
0x99: {  	s19 =	sld [smem:$0x3FDB];
	_ =	sdelay $0x1  }
0x9a: {  	s5 =	simm.s32 $_scs_section_size  }
0x9b: {  	s6 =	simm.s32 $_size__tile_overlayer_lowered;
	s7 =	simm.s32 $_tile_overlayer_lowered  }
0x9c: {  	s22 =	simm.s32 $0x1BFF;
	s21 =	sshll.u32 s7, $0x1;
	s4 =	sadd.s32 s5, s19  }
0x9d: {  	s8 =	simm.s32 $0x0;
	s20 =	sshll.u32 s6, $0x1;
	s6 =	sadd.s32 s21, s4  }
0x9e: {  	[timem:s8], [sflag:s22] =	dma.local [hbm:s6], s20  }
0x9f: {  	_ =	swait.ge [sflag:s22], s20  }
0xa0: {  	s5 =	ssub.s32 $0x0, s20;
	[sflag:s22] =	ssyncset.done $0x0  }
0xa1: {  	[sflag:s22] =	ssyncadd.s32 s5;
	_ =	sdelay $0x1  }
0xa2: {  	s23 =	simm.s32 $0x1B8B  }
0xa3: {  	_ =	swait.ge [sflag:s23], $0x1  }
0xa4: {  	[sflag:s23] =	ssyncset.done $0x0  }
0xa5: {  	s25 =	simm.s32 $0x1B8E;
	s24 =	sld [smem:$0x3FFE];
	[sflag:s23] =	ssyncadd.s32 $0xFFFFFFFF  }
0xa6: {  	s26 =	simm.s32 $execute0_lowered;
	[smem:$0x3FD2] =	sst s25  }
0xa7: {  	s6 =	sshll.u32 s26, $0x1;
	_ =	strace $0x80000046;
	[dreg:$0x1] =	wrdreg $0xFFFFFFFF  }
0xa8: {  	s28 =	simm.s32 $_size_execute0_lowered;
	s4 =	sadd.s32 s4, s6;
	[dreg:$0x0] =	wrdreg $0x0  }
0xa9: {  	s6 =	sshll.u32 s28, $0x1;
	[dreg:$0x2] =	wrdreg s4  }
0xaa: {  	[dreg:$0x3] =	wrdreg s6  }
0xab: {  	[dreg:$0x4] =	wrdreg $0xC0  }
0xac: {  	_ =	task [dreg:s8], $0x5FFFF  }
0xad: {  	[dreg:$0x1] =	wrdreg $0xFFFFFFFF  }
0xae: {  	[dreg:$0x0] =	wrdreg $0x60  }
0xaf: {  	[dreg:$0x2] =	wrdreg s2  }
0xb0: {  	[dreg:$0x3] =	wrdreg s18  }
0xb1: {  	[dreg:$0x4] =	wrdreg s24  }
0xb2: {  	[dreg:$0x5] =	wrdreg $0x9  }
0xb3: {  	_ =	task.clear_ibuf [dreg:s8], $0x6FFFF;
	_ =	strace $0x90000046  }
0xb4: {  	s29 =	simm.s32 $0x9;
	_ =	strace $0x80000048  }
0xb5: {  	_ =	swait.ge [sflag:s29], $0x1  }
0xb6: {  	[sflag:s29] =	ssyncadd.s32 $0xFFFFFFFF  }
0xb7: {  	_ =	strace $0x90000048  }
0xb8: {  	_ =	sfence  }
0xb9: {  	s30 =	sld [smem:$0x0];
	_ =	sdelay $0x2  }
0xba: {  	s31 =	sshll.u32 s1, $0xD;
	s1 =	sshrl.u32 s1, $0x2  }
0xbb: {  	s3 =	sand.u32 $0x4000, s31;
	s1 =	sadd.s32 s1, s30  }
0xbc: {  	s0 =	sor.u32 s3, s0;
	s1 =	sshll.u32 s1, $0x11  }
0xbd: {  	s0 =	sor.u32 s1, s0  }
0xbe: {  	s0 =	sadd.s32 $0x8F2B, s0  }
0xbf: {  	[sflag:s0] =	ssyncadd.remote.s32 $0x1  }
0xc0: {  	_ =	sfence.sel $0xFFFF  }
0xc1: {  	[dreg:$0x0] =	wrdreg $0xFFFFFFFF;
	(pc) =	sbr.abs _section_cstart, $3  }
0xc2: {  	[dreg:$0x1] =	wrdreg $0xFFFFFFFF  }
0xc3: {  	_ =	task.clear_ibuf [dreg:s8], $0x2FFFF;
	_ =	strace $0x9FFFFFFF  }
0xc4: {  	(tm) =	ssettm $0x7FFFFFFF  }
0xc5: {  	_ =	shalt  }
tec
execute0_lowered:
.L_overlay_start_1:
0x0: {  	(tag) =	ssettag $0x1  }
0x1: {  	s0 =	rddreg [dreg:$0x0]  }
0x2: {  	s1 =	rddreg [dreg:$0x1]  }
0x3: {  	s5 =	rddreg [dreg:$0x2];
	s2 =	simm.s32 $0x0;
	s3 =	srdreg.scid  }
0x4: {  	s4 =	stileid.u32;
	s6 =	sand.u32 $0x1, s3;
	s3 =	sadd.s32 $0x187200, s5  }
0x5: {  	[smem:$0x7FF] =	sst s2;
	s7 =	sshll.u32 s4, $0xA;
	s26 =	sadd.s32 $0x10C9600, s5  }
0x6: {  	s4 =	sadd.s32 $0x800, s5;
	s5 =	sadd.s32 $0x1109600, s5;
	s8 =	sshll.u32 s6, $0x9  }
0x7: {  	_ =	strace $0x80000047;
	[dreg:$0xe] =	wrdreg s26;
	s8 =	sor.u32 s8, s7  }
0x8: {  	s6 =	ssub.s32 $0x2, s6;
	[dreg:$0xd] =	wrdreg s8;
	s8 =	sshrl.u32 s8, $0x3  }
0x9: {  	[dreg:$0xf] =	wrdreg s5;
	s28 =	sshrl.u32 s6, $0x1;
	s0 =	sadd.s32 s0, s8  }
0xa: {  	s29 =	ssub.s32 s6, s28;
	s30 =	sadd.s32 s1, s8;
	[dreg:$0x10] =	wrdreg s0  }
0xb: {  	s31 =	smax.u32 s29, $0x1;
	[dreg:$0x11] =	wrdreg s30  }
0xc: {  	s1 =	simm.s32 $0x0;
	[dreg:$0x12] =	wrdreg s31  }
.LBB2_1:
0xd: {  	[dreg:$0x13] =	wrdreg s1  }
0xe: {  	s0 =	rddreg [dreg:$0x10];
	s30 =	simm.s32 $0x3  }
0xf: {  	[tilespmem:s2], [sflag:$0x3] =	stream.linear.gather [hbm4b:s0+s2], $0x200, $0x38;
	[tilespmem:$0x10400] =	vst v63  }
0x10: {  	_ =	swait.ge [sflag:s30], $0x200  }
0x11: {  	[sflag:s30] =	ssyncset.done $0x0  }
0x12: {  	s5 =	simm.s32 $0x200;
	s31 =	rddreg [dreg:$0x11];
	[sflag:s30] =	ssyncadd.s32 $0xFFFFFE00  }
0x13: {  	[tilespmem:s5], [sflag:$0x3] =	stream.linear.gather [hbm4b:s31+s2], $0x200, $0x38;
	[tilespmem:$0x10400] =	vst v63  }
0x14: {  	_ =	swait.ge [sflag:s30], $0x200  }
0x15: {  	[sflag:s30] =	ssyncset.done $0x0  }
0x16: {  	p1 =	por $0x1, $0x1;
	s0 =	simm.s32 $0x0;
	[sflag:s30] =	ssyncadd.s32 $0xFFFFFE00  }
.LBB2_2:
0x17: {  	s10 =	sshll.u32 s0, $0x2  }
0x18: {  	s13 =	sshra.s32 s10, $0x2  }
0x19: {  	[dreg:$0x14] =	wrdreg s0;
	s0 =	sadd.s32 $0x200, s13;
	v0 =	vld [tilespmem:s13+$0x0]  }
0x1a: {  	v2 =	vld [tilespmem:s0+$0x0];
	_ =	sdelay $0x3  }
0x1b: {  	v1 =	vshll.u32 v0, $0x4  }
0x1c: {  	v63 =	vshll.u32 v2, $0x4;
	(v2sf) =	vpush v1, $0x0  }
0x1d: {  	(v2sf) =	vpush v63, $0x0  }
0x1e: {  	(v2sf) =	vpush v1, $0x1;
	_ =	sdelay $0x1  }
0x1f: {  	(v2sf) =	vpush v63, $0x1;
	_ =	sdelay $0x2  }
0x20: {  	(v2sf) =	vpush v1, $0x2;
	_ =	sdelay $0x1  }
0x21: {  	(v2sf) =	vpush v63, $0x2;
	_ =	sdelay $0x1  }
0x22: {  	s20 =	simm.s32 $0x2000;
	s19 =	simm.s32 $0x0;
	(v2sf) =	vpush v1, $0x3  }
0x23: {  	s1 =	simm.s32 $0x8400;
	s7 =	simm.s32 $0x680;
	s6 =	simm.s32 $0x880  }
0x24: {  	s5 =	simm.s32 $0x400;
	s15 =	simm.s32 $0x480;
	s17 =	simm.s32 $0x8480;
	(v2sf) =	vpush v63, $0x3  }
0x25: {  	s22 =	simm.s32 $0x500;
	s25 =	simm.s32 $0x8500;
	s30 =	simm.s32 $0x580  }
0x26: {  	s29 =	simm.s32 $0xA00;
	s28 =	simm.s32 $0xB00;
	s9 =	spop (v2sf)  }
0x27: {  	p0 =	por p1, p1;
	s9 =	sand.u32 $0x1FFFFFF0, s9;
	s11 =	spop (v2sf)  }
0x28: {  	s10 =	simm.s32 $0x600;
	(v2sf) =	vpush v1, $0x4;
	s9 =	sadd.s32 s3, s9;
	s12 =	spop (v2sf)  }
0x29: {  	[tilespmem:s5], [sflag:$0x1] =	stream.linear.gather [hbm4b:s9+s2], $0x80, $0x38;
	[tilespmem:$0x10400] =	vst v63  }
0x2a: {  	s11 =	sand.u32 $0x1FFFFFF0, s11;
	(v2sf) =	vpush v63, $0x4;
	s5 =	simm.s32 $0x8900;
	s16 =	spop (v2sf)  }
0x2b: {  	s11 =	sadd.s32 s4, s11;
	s14 =	sand.u32 $0x1FFFFFF0, s12;
	(v2sf) =	vpush v1, $0x5;
	s9 =	sand.u32 $0x1FFFFFF0, s16  }
0x2c: {  	[tilespmem:s1], [sflag:$0x2] =	stream.linear.gather [hbm4b:s11+s2], $0x80, $0x38;
	[tilespmem:$0x10400] =	vst v63  }
0x2d: {  	(v2sf) =	vpush v63, $0x5;
	s18 =	spop (v2sf);
	s11 =	sadd.s32 s3, s14;
	s9 =	sadd.s32 s4, s9  }
0x2e: {  	[tilespmem:s15], [sflag:$0x1] =	stream.linear.gather [hbm4b:s11+s2], $0x80, $0x38;
	[tilespmem:$0x10400] =	vst v63  }
0x2f: {  	s21 =	spop (v2sf);
	(v2sf) =	vpush v1, $0x6;
	s14 =	simm.s32 $0x8580;
	s11 =	sand.u32 $0x1FFFFFF0, s18  }
0x30: {  	[tilespmem:s17], [sflag:$0x2] =	stream.linear.gather [hbm4b:s9+s2], $0x80, $0x38;
	[tilespmem:$0x10400] =	vst v63  }
0x31: {  	s24 =	sand.u32 $0x1FFFFFF0, s21;
	s26 =	spop (v2sf);
	(v2sf) =	vpush v63, $0x6;
	s23 =	sadd.s32 s3, s11  }
0x32: {  	[tilespmem:s22], [sflag:$0x1] =	stream.linear.gather [hbm4b:s23+s2], $0x80, $0x38;
	[tilespmem:$0x10400] =	vst v63  }
0x33: {  	(v2sf) =	vpush v1, $0x7;
	s31 =	spop (v2sf);
	s11 =	sadd.s32 s4, s24;
	s9 =	sand.u32 $0x1FFFFFF0, s26  }
0x34: {  	[tilespmem:s25], [sflag:$0x2] =	stream.linear.gather [hbm4b:s11+s2], $0x80, $0x38;
	[tilespmem:$0x10400] =	vst v63  }
0x35: {  	s21 =	simm.s32 $0x8600;
	s9 =	sadd.s32 s3, s9;
	s11 =	sand.u32 $0x1FFFFFF0, s31  }
0x36: {  	[tilespmem:s30], [sflag:$0x1] =	stream.linear.gather [hbm4b:s9+s2], $0x80, $0x38;
	[tilespmem:$0x10400] =	vst v63  }
0x37: {  	s26 =	simm.s32 $0x8680;
	s15 =	sadd.s32 s4, s11;
	s8 =	spop (v2sf);
	(v2sf) =	vpush v63, $0x7  }
0x38: {  	[tilespmem:s14], [sflag:$0x2] =	stream.linear.gather [hbm4b:s15+s2], $0x80, $0x38;
	[tilespmem:$0x10400] =	vst v63  }
0x39: {  	s31 =	simm.s32 $0x700;
	s16 =	sand.u32 $0x1FFFFFF0, s8;
	(v2sf) =	vpush v1, $0x8;
	s18 =	spop (v2sf)  }
0x3a: {  	s11 =	sadd.s32 s3, s16;
	(v2sf) =	vpush v63, $0x8;
	s9 =	sand.u32 $0x1FFFFFF0, s18;
	s22 =	spop (v2sf)  }
0x3b: {  	[tilespmem:s10], [sflag:$0x1] =	stream.linear.gather [hbm4b:s11+s2], $0x80, $0x38;
	[tilespmem:$0x10400] =	vst v63  }
0x3c: {  	s9 =	sadd.s32 s4, s9;
	s11 =	sand.u32 $0x1FFFFFF0, s22;
	s23 =	spop (v2sf);
	(v2sf) =	vpush v1, $0x9  }
0x3d: {  	[tilespmem:s21], [sflag:$0x2] =	stream.linear.gather [hbm4b:s9+s2], $0x80, $0x38;
	[tilespmem:$0x10400] =	vst v63  }
0x3e: {  	s24 =	sadd.s32 s3, s11;
	s25 =	sand.u32 $0x1FFFFFF0, s23;
	s30 =	spop (v2sf);
	(v2sf) =	vpush v63, $0x9  }
0x3f: {  	(v2sf) =	vpush v1, $0xA;
	[tilespmem:s7], [sflag:$0x1] =	stream.linear.gather [hbm4b:s24+s2], $0x80, $0x38;
	[tilespmem:$0x10400] =	vst v63  }
0x40: {  	s10 =	sadd.s32 s4, s25;
	s9 =	sand.u32 $0x1FFFFFF0, s30;
	s1 =	spop (v2sf)  }
0x41: {  	[tilespmem:s26], [sflag:$0x2] =	stream.linear.gather [hbm4b:s10+s2], $0x80, $0x38;
	[tilespmem:$0x10400] =	vst v63  }
0x42: {  	s9 =	sadd.s32 s3, s9;
	s8 =	spop (v2sf);
	s10 =	sand.u32 $0x1FFFFFF0, s1  }
0x43: {  	(v2sf) =	vpush v63, $0xA;
	[tilespmem:s31], [sflag:$0x1] =	stream.linear.gather [hbm4b:s9+s2], $0x80, $0x38;
	[tilespmem:$0x10400] =	vst v63  }
0x44: {  	s14 =	sand.u32 $0x1FFFFFF0, s8;
	s10 =	sadd.s32 s4, s10;
	s9 =	simm.s32 $0x8700  }
0x45: {  	[tilespmem:s9], [sflag:$0x2] =	stream.linear.gather [hbm4b:s10+s2], $0x80, $0x38;
	[tilespmem:$0x10400] =	vst v63  }
0x46: {  	s15 =	simm.s32 $0x780;
	s10 =	sadd.s32 s3, s14;
	s16 =	spop (v2sf)  }
0x47: {  	(v2sf) =	vpush v1, $0xB;
	[tilespmem:s15], [sflag:$0x1] =	stream.linear.gather [hbm4b:s10+s2], $0x80, $0x38;
	[tilespmem:$0x10400] =	vst v63  }
0x48: {  	s18 =	simm.s32 $0x8780;
	s9 =	sand.u32 $0x1FFFFFF0, s16;
	s21 =	spop (v2sf)  }
0x49: {  	(v2sf) =	vpush v63, $0xB;
	s9 =	sadd.s32 s4, s9;
	s10 =	sand.u32 $0x1FFFFFF0, s21;
	s22 =	spop (v2sf)  }
0x4a: {  	[tilespmem:s18], [sflag:$0x2] =	stream.linear.gather [hbm4b:s9+s2], $0x80, $0x38;
	[tilespmem:$0x10400] =	vst v63  }
0x4b: {  	s23 =	simm.s32 $0x800;
	s24 =	sadd.s32 s3, s10;
	s30 =	spop (v2sf)  }
0x4c: {  	[tilespmem:s23], [sflag:$0x1] =	stream.linear.gather [hbm4b:s24+s2], $0x80, $0x38;
	[tilespmem:$0x10400] =	vst v63  }
0x4d: {  	s26 =	simm.s32 $0x8800;
	s25 =	sand.u32 $0x1FFFFFF0, s22;
	s1 =	spop (v2sf)  }
0x4e: {  	(v2sf) =	vpush v1, $0xC;
	s10 =	sadd.s32 s4, s25;
	s9 =	sand.u32 $0x1FFFFFF0, s30;
	s8 =	spop (v2sf)  }
0x4f: {  	(v2sf) =	vpush v63, $0xC;
	[tilespmem:s26], [sflag:$0x2] =	stream.linear.gather [hbm4b:s10+s2], $0x80, $0x38;
	[tilespmem:$0x10400] =	vst v63  }
0x50: {  	s9 =	sadd.s32 s3, s9;
	s10 =	sand.u32 $0x1FFFFFF0, s1;
	s15 =	sand.u32 $0x1FFFFFF0, s8  }
0x51: {  	[tilespmem:s6], [sflag:$0x1] =	stream.linear.gather [hbm4b:s9+s2], $0x80, $0x38;
	[tilespmem:$0x10400] =	vst v63  }
0x52: {  	s18 =	spop (v2sf);
	s14 =	sadd.s32 s4, s10;
	s9 =	simm.s32 $0x8880  }
0x53: {  	[tilespmem:s9], [sflag:$0x2] =	stream.linear.gather [hbm4b:s14+s2], $0x80, $0x38;
	[tilespmem:$0x10400] =	vst v63  }
0x54: {  	s16 =	simm.s32 $0x900;
	s10 =	sadd.s32 s3, s15;
	s21 =	sand.u32 $0x1FFFFFF0, s18  }
0x55: {  	[tilespmem:s16], [sflag:$0x1] =	stream.linear.gather [hbm4b:s10+s2], $0x80, $0x38;
	[tilespmem:$0x10400] =	vst v63  }
0x56: {  	s12 =	simm.s32 $0xA80;
	s6 =	sadd.s32 s4, s21;
	s22 =	spop (v2sf)  }
0x57: {  	[tilespmem:s5], [sflag:$0x2] =	stream.linear.gather [hbm4b:s6+s2], $0x80, $0x38;
	[tilespmem:$0x10400] =	vst v63  }
0x58: {  	s17 =	simm.s32 $0x8A00;
	s1 =	sand.u32 $0x1FFFFFF0, s22;
	s23 =	spop (v2sf)  }
0x59: {  	s24 =	simm.s32 $0x980;
	(v2sf) =	vpush v1, $0xD;
	s25 =	sadd.s32 s3, s1;
	s26 =	sand.u32 $0x1FFFFFF0, s23  }
0x5a: {  	(v2sf) =	vpush v63, $0xD;
	[tilespmem:s24], [sflag:$0x1] =	stream.linear.gather [hbm4b:s25+s2], $0x80, $0x38;
	[tilespmem:$0x10400] =	vst v63  }
0x5b: {  	s31 =	simm.s32 $0x8980;
	s9 =	simm.s32 $0x8A80;
	(v2sf) =	vpush v1, $0xE;
	s30 =	sadd.s32 s4, s26  }
0x5c: {  	(v2sf) =	vpush v63, $0xE;
	[tilespmem:s31], [sflag:$0x2] =	stream.linear.gather [hbm4b:s30+s2], $0x80, $0x38;
	[tilespmem:$0x10400] =	vst v63  }
0x5d: {  	s23 =	sadd.s32 $0x10, s13;
	s24 =	sadd.s32 $0x10, s0;
	(v2sf) =	vpush v1, $0xF;
	s31 =	spop (v2sf)  }
0x5e: {  	s26 =	simm.s32 $0x8B00;
	(v2sf) =	vpush v63, $0xF;
	s0 =	sand.u32 $0x1FFFFFF0, s31;
	s5 =	spop (v2sf)  }
.LBB2_3:
0x5f: {  	_ =	sdelay $0x4  }
0x60: {  	s0 =	sadd.s32 s3, s0;
	s5 =	sand.u32 $0x1FFFFFF0, s5  }
0x61: {  	[tilespmem:s29], [sflag:$0x1] =	stream.linear.gather [hbm4b:s0+s2], $0x80, $0x38;
	[tilespmem:$0x10400] =	vst v63  }
0x62: {  	s15 =	sadd.s32 s4, s5  }
0x63: {  	[tilespmem:s17], [sflag:$0x2] =	stream.linear.gather [hbm4b:s15+s2], $0x80, $0x38;
	[tilespmem:$0x10400] =	vst v63  }
0x64: {  	s6 =	spop (v2sf)  }
0x65: {  	s16 =	sand.u32 $0x1FFFFFF0, s6;
	s18 =	spop (v2sf)  }
0x66: {  	s21 =	sadd.s32 s3, s16;
	s1 =	sand.u32 $0x1FFFFFF0, s18;
	s22 =	spop (v2sf)  }
0x67: {  	[tilespmem:s12], [sflag:$0x1] =	stream.linear.gather [hbm4b:s21+s2], $0x80, $0x38;
	[tilespmem:$0x10400] =	vst v63  }
0x68: {  	s25 =	sadd.s32 s4, s1;
	s30 =	sand.u32 $0x1FFFFFF0, s22;
	s31 =	spop (v2sf)  }
0x69: {  	[tilespmem:s9], [sflag:$0x2] =	stream.linear.gather [hbm4b:s25+s2], $0x80, $0x38;
	[tilespmem:$0x10400] =	vst v63  }
0x6a: {  	s1 =	sadd.s32 s3, s30;
	s5 =	sand.u32 $0x1FFFFFF0, s31;
	s6 =	spop (v2sf)  }
0x6b: {  	[tilespmem:s28], [sflag:$0x1] =	stream.linear.gather [hbm4b:s1+s2], $0x80, $0x38;
	[tilespmem:$0x10400] =	vst v63  }
0x6c: {  	s7 =	sadd.s32 s4, s5;
	s8 =	sand.u32 $0x1FFFFFF0, s6;
	s9 =	spop (v2sf)  }
0x6d: {  	[tilespmem:s26], [sflag:$0x2] =	stream.linear.gather [hbm4b:s7+s2], $0x80, $0x38;
	[tilespmem:$0x10400] =	vst v63  }
0x6e: {  	s10 =	sadd.s32 $0xB80, s19;
	s5 =	sand.u32 $0x1FFFFFF0, s9;
	s1 =	sadd.s32 s3, s8  }
0x6f: {  	[tilespmem:s10], [sflag:$0x1] =	stream.linear.gather [hbm4b:s1+s2], $0x80, $0x38;
	[tilespmem:$0x10400] =	vst v63  }
0x70: {  	s11 =	sadd.s32 $0x8B80, s19;
	s12 =	sadd.s32 s4, s5  }
0x71: {  	[tilespmem:s11], [sflag:$0x2] =	stream.linear.gather [hbm4b:s12+s2], $0x80, $0x38;
	[tilespmem:$0x10400] =	vst v63  }
0x72: {  	v0 =	vld [tilespmem:s23+$0x0];
	_ =	sdelay $0x1  }
0x73: {  	v2 =	vld [tilespmem:s24+$0x0];
	_ =	sdelay $0x2  }
0x74: {  	v1 =	vshll.u32 v0, $0x4  }
0x75: {  	(v2sf) =	vpush v1, $0x0  }
0x76: {  	v63 =	vshll.u32 v2, $0x4  }
0x77: {  	s13 =	smov.u32 s20;
	(v2sf) =	vpush v63, $0x0  }
0x78: {  	s19 =	sshra.s32 s13, $0x2;
	(v2sf) =	vpush v1, $0x1  }
0x79: {  	p1 =	sne.s32 s20, $0x1E000;
	s20 =	sadd.s32 $0x2000, s20;
	s0 =	sadd.s32 $0x680, s19  }
0x7a: {  	s14 =	sadd.s32 $0x880, s19;
	s13 =	sadd.s32 $0x600, s19;
	[dreg:$0xc] =	wrdreg s0;
	(v2sf) =	vpush v63, $0x1  }
0x7b: {  	s29 =	sadd.s32 $0xA00, s19;
	[dreg:$0x6] =	wrdreg s14;
	s15 =	sadd.s32 $0x8900, s19  }
0x7c: {  	s17 =	sadd.s32 $0x8A00, s19;
	s0 =	sadd.s32 $0x8500, s19;
	s14 =	sadd.s32 $0x8780, s19;
	(v2sf) =	vpush v1, $0x2  }
0x7d: {  	[dreg:$0x4] =	wrdreg s15;
	s15 =	sadd.s32 $0x8600, s19;
	s16 =	sadd.s32 $0x8880, s19;
	(v2sf) =	vpush v63, $0x2  }
0x7e: {  	s18 =	sadd.s32 $0x580, s19;
	s21 =	sadd.s32 $0x500, s19;
	[dreg:$0x8] =	wrdreg s16  }
0x7f: {  	s22 =	sadd.s32 $0x900, s19;
	s16 =	sadd.s32 $0x780, s19;
	s31 =	sadd.s32 $0x8400, s19;
	(v2sf) =	vpush v1, $0x3  }
0x80: {  	s30 =	sadd.s32 $0x8480, s19;
	[dreg:$0x7] =	wrdreg s22;
	s25 =	sadd.s32 $0x8800, s19  }
0x81: {  	s6 =	sadd.s32 $0x700, s19;
	s9 =	sadd.s32 $0x8A80, s19;
	[dreg:$0xa] =	wrdreg s25  }
0x82: {  	s5 =	sadd.s32 $0xA80, s19;
	s8 =	sadd.s32 $0x8980, s19;
	s28 =	sadd.s32 $0xB00, s19  }
0x83: {  	[dreg:$0x5] =	wrdreg s8;
	s7 =	sadd.s32 $0x8680, s19;
	s26 =	sadd.s32 $0x800, s19;
	(v2sf) =	vpush v63, $0x3  }
0x84: {  	[dreg:$0xb] =	wrdreg s26;
	s26 =	sadd.s32 $0x8B00, s19;
	s22 =	spop (v2sf)  }
0x85: {  	s1 =	sadd.s32 $0x400, s19;
	(v2sf) =	vpush v1, $0x4;
	s8 =	sand.u32 $0x1FFFFFF0, s22;
	s22 =	sadd.s32 $0x980, s19  }
0x86: {  	s10 =	sadd.s32 $0x8700, s19;
	s25 =	spop (v2sf);
	[dreg:$0x9] =	wrdreg s22  }
0x87: {  	(v2sf) =	vpush v63, $0x4;
	s8 =	sadd.s32 s3, s8;
	s22 =	sand.u32 $0x1FFFFFF0, s25;
	s25 =	spop (v2sf)  }
0x88: {  	[tilespmem:s1], [sflag:$0x1] =	stream.linear.gather [hbm4b:s8+s2], $0x80, $0x38;
	[tilespmem:$0x10400] =	vst v63  }
0x89: {  	(v2sf) =	vpush v1, $0x5;
	s8 =	sadd.s32 s4, s22;
	s22 =	sand.u32 $0x1FFFFFF0, s25;
	s25 =	spop (v2sf)  }
0x8a: {  	[tilespmem:s31], [sflag:$0x2] =	stream.linear.gather [hbm4b:s8+s2], $0x80, $0x38;
	[tilespmem:$0x10400] =	vst v63  }
0x8b: {  	s11 =	sadd.s32 $0x8580, s19;
	s12 =	sadd.s32 $0x480, s19;
	(v2sf) =	vpush v63, $0x5;
	s31 =	spop (v2sf)  }
0x8c: {  	s25 =	sand.u32 $0x1FFFFFF0, s25;
	s8 =	sadd.s32 s3, s22;
	(v2sf) =	vpush v1, $0x6;
	s22 =	spop (v2sf)  }
0x8d: {  	[tilespmem:s12], [sflag:$0x1] =	stream.linear.gather [hbm4b:s8+s2], $0x80, $0x38;
	[tilespmem:$0x10400] =	vst v63  }
0x8e: {  	(v2sf) =	vpush v63, $0x6;
	s8 =	sadd.s32 s4, s25;
	s12 =	sand.u32 $0x1FFFFFF0, s31;
	s31 =	spop (v2sf)  }
0x8f: {  	(v2sf) =	vpush v1, $0x7;
	[tilespmem:s30], [sflag:$0x2] =	stream.linear.gather [hbm4b:s8+s2], $0x80, $0x38;
	[tilespmem:$0x10400] =	vst v63  }
0x90: {  	s25 =	sadd.s32 s3, s12;
	s12 =	smov.u32 s5;
	s30 =	sand.u32 $0x1FFFFFF0, s22  }
0x91: {  	[tilespmem:s21], [sflag:$0x1] =	stream.linear.gather [hbm4b:s25+s2], $0x80, $0x38;
	[tilespmem:$0x10400] =	vst v63  }
0x92: {  	s22 =	sand.u32 $0x1FFFFFF0, s31;
	s21 =	sadd.s32 s4, s30;
	s25 =	spop (v2sf)  }
0x93: {  	(v2sf) =	vpush v63, $0x7;
	[tilespmem:s0], [sflag:$0x2] =	stream.linear.gather [hbm4b:s21+s2], $0x80, $0x38;
	[tilespmem:$0x10400] =	vst v63  }
0x94: {  	s30 =	sadd.s32 s3, s22;
	s31 =	sand.u32 $0x1FFFFFF0, s25;
	s5 =	spop (v2sf)  }
0x95: {  	(v2sf) =	vpush v1, $0x8;
	[tilespmem:s18], [sflag:$0x1] =	stream.linear.gather [hbm4b:s30+s2], $0x80, $0x38;
	[tilespmem:$0x10400] =	vst v63  }
0x96: {  	s21 =	sand.u32 $0x1FFFFFF0, s5;
	s18 =	sadd.s32 s4, s31;
	s22 =	spop (v2sf)  }
0x97: {  	[tilespmem:s11], [sflag:$0x2] =	stream.linear.gather [hbm4b:s18+s2], $0x80, $0x38;
	[tilespmem:$0x10400] =	vst v63  }
0x98: {  	s23 =	sadd.s32 $0x10, s23;
	s25 =	sadd.s32 s3, s21;
	s31 =	spop (v2sf)  }
0x99: {  	(v2sf) =	vpush v63, $0x8;
	[tilespmem:s13], [sflag:$0x1] =	stream.linear.gather [hbm4b:s25+s2], $0x80, $0x38;
	[tilespmem:$0x10400] =	vst v63  }
0x9a: {  	s24 =	sadd.s32 $0x10, s24;
	s30 =	sand.u32 $0x1FFFFFF0, s22;
	(v2sf) =	vpush v1, $0x9;
	s13 =	spop (v2sf)  }
0x9b: {  	s22 =	rddreg [dreg:$0xc];
	s5 =	sadd.s32 s4, s30;
	s21 =	spop (v2sf)  }
0x9c: {  	(v2sf) =	vpush v63, $0x9;
	[tilespmem:s15], [sflag:$0x2] =	stream.linear.gather [hbm4b:s5+s2], $0x80, $0x38;
	[tilespmem:$0x10400] =	vst v63  }
0x9d: {  	s11 =	sand.u32 $0x1FFFFFF0, s31;
	s18 =	sand.u32 $0x1FFFFFF0, s13;
	s31 =	spop (v2sf)  }
0x9e: {  	s15 =	sadd.s32 s3, s11;
	s30 =	sand.u32 $0x1FFFFFF0, s21;
	s8 =	spop (v2sf)  }
0x9f: {  	[tilespmem:s22], [sflag:$0x1] =	stream.linear.gather [hbm4b:s15+s2], $0x80, $0x38;
	[tilespmem:$0x10400] =	vst v63  }
0xa0: {  	(v2sf) =	vpush v1, $0xA;
	s25 =	sadd.s32 s4, s18;
	s5 =	sadd.s32 s3, s30;
	s13 =	sand.u32 $0x1FFFFFF0, s8  }
0xa1: {  	[tilespmem:s7], [sflag:$0x2] =	stream.linear.gather [hbm4b:s25+s2], $0x80, $0x38;
	[tilespmem:$0x10400] =	vst v63  }
0xa2: {  	(v2sf) =	vpush v63, $0xA;
	s18 =	sadd.s32 s3, s13;
	s7 =	sand.u32 $0x1FFFFFF0, s31;
	s15 =	spop (v2sf)  }
0xa3: {  	[tilespmem:s6], [sflag:$0x1] =	stream.linear.gather [hbm4b:s5+s2], $0x80, $0x38;
	[tilespmem:$0x10400] =	vst v63  }
0xa4: {  	s11 =	sadd.s32 s4, s7;
	s21 =	sand.u32 $0x1FFFFFF0, s15;
	s22 =	spop (v2sf)  }
0xa5: {  	[tilespmem:s10], [sflag:$0x2] =	stream.linear.gather [hbm4b:s11+s2], $0x80, $0x38;
	[tilespmem:$0x10400] =	vst v63  }
0xa6: {  	(v2sf) =	vpush v1, $0xB;
	s15 =	rddreg [dreg:$0xa];
	s25 =	sadd.s32 s4, s21;
	s30 =	sand.u32 $0x1FFFFFF0, s22  }
0xa7: {  	[tilespmem:s16], [sflag:$0x1] =	stream.linear.gather [hbm4b:s18+s2], $0x80, $0x38;
	[tilespmem:$0x10400] =	vst v63  }
0xa8: {  	(v2sf) =	vpush v63, $0xB;
	s22 =	rddreg [dreg:$0x6];
	s6 =	sadd.s32 s3, s30;
	s31 =	spop (v2sf)  }
0xa9: {  	(v2sf) =	vpush v1, $0xC;
	s10 =	rddreg [dreg:$0xb];
	s7 =	sand.u32 $0x1FFFFFF0, s31;
	s8 =	spop (v2sf)  }
0xaa: {  	[tilespmem:s14], [sflag:$0x2] =	stream.linear.gather [hbm4b:s25+s2], $0x80, $0x38;
	[tilespmem:$0x10400] =	vst v63  }
0xab: {  	(v2sf) =	vpush v63, $0xC;
	s11 =	sadd.s32 s4, s7;
	s13 =	sand.u32 $0x1FFFFFF0, s8;
	s14 =	spop (v2sf)  }
0xac: {  	[tilespmem:s10], [sflag:$0x1] =	stream.linear.gather [hbm4b:s6+s2], $0x80, $0x38;
	[tilespmem:$0x10400] =	vst v63  }
0xad: {  	s7 =	rddreg [dreg:$0x8];
	s16 =	sadd.s32 s3, s13;
	s18 =	sand.u32 $0x1FFFFFF0, s14  }
0xae: {  	[tilespmem:s15], [sflag:$0x2] =	stream.linear.gather [hbm4b:s11+s2], $0x80, $0x38;
	[tilespmem:$0x10400] =	vst v63  }
0xaf: {  	s13 =	rddreg [dreg:$0x7];
	s21 =	spop (v2sf);
	s25 =	sadd.s32 s4, s18  }
0xb0: {  	[tilespmem:s22], [sflag:$0x1] =	stream.linear.gather [hbm4b:s16+s2], $0x80, $0x38;
	[tilespmem:$0x10400] =	vst v63  }
0xb1: {  	s30 =	sand.u32 $0x1FFFFFF0, s21;
	s31 =	spop (v2sf);
	s18 =	rddreg [dreg:$0x4]  }
0xb2: {  	[tilespmem:s7], [sflag:$0x2] =	stream.linear.gather [hbm4b:s25+s2], $0x80, $0x38;
	[tilespmem:$0x10400] =	vst v63  }
0xb3: {  	s8 =	sadd.s32 s3, s30;
	s10 =	sand.u32 $0x1FFFFFF0, s31;
	s30 =	rddreg [dreg:$0x9]  }
0xb4: {  	[tilespmem:s13], [sflag:$0x1] =	stream.linear.gather [hbm4b:s8+s2], $0x80, $0x38;
	[tilespmem:$0x10400] =	vst v63  }
0xb5: {  	s11 =	spop (v2sf);
	s31 =	rddreg [dreg:$0x5];
	s14 =	sadd.s32 s4, s10  }
0xb6: {  	(v2sf) =	vpush v1, $0xD;
	[tilespmem:s18], [sflag:$0x2] =	stream.linear.gather [hbm4b:s14+s2], $0x80, $0x38;
	[tilespmem:$0x10400] =	vst v63  }
.Ltmp0:
0xb7: {  	(v2sf) =	vpush v63, $0xD;
	s15 =	sand.u32 $0x1FFFFFF0, s11;
	s16 =	spop (v2sf);
	(pc) =	sbr.rel @p1 .LBB2_3-.Ltmp0, $4  }
0xb8: {  	(v2sf) =	vpush v1, $0xE;
	s21 =	sadd.s32 s3, s15;
	s22 =	sand.u32 $0x1FFFFFF0, s16;
	s25 =	spop (v2sf)  }
0xb9: {  	(v2sf) =	vpush v63, $0xE;
	[tilespmem:s30], [sflag:$0x1] =	stream.linear.gather [hbm4b:s21+s2], $0x80, $0x38;
	[tilespmem:$0x10400] =	vst v63  }
0xba: {  	(v2sf) =	vpush v1, $0xF;
	s1 =	sadd.s32 s4, s22;
	s0 =	sand.u32 $0x1FFFFFF0, s25;
	s5 =	spop (v2sf)  }
0xbb: {  	(v2sf) =	vpush v63, $0xF;
	[tilespmem:s31], [sflag:$0x2] =	stream.linear.gather [hbm4b:s1+s2], $0x80, $0x38;
	[tilespmem:$0x10400] =	vst v63  }
0xbc: {  	_ =	sdelay $0x4  }
0xbd: {  	s0 =	sadd.s32 s3, s0;
	s1 =	sand.u32 $0x1FFFFFF0, s5  }
0xbe: {  	[tilespmem:s29], [sflag:$0x1] =	stream.linear.gather [hbm4b:s0+s2], $0x80, $0x38;
	[tilespmem:$0x10400] =	vst v63  }
0xbf: {  	s29 =	sadd.s32 s4, s1  }
0xc0: {  	[tilespmem:s17], [sflag:$0x2] =	stream.linear.gather [hbm4b:s29+s2], $0x80, $0x38;
	[tilespmem:$0x10400] =	vst v63  }
0xc1: {  	s25 =	spop (v2sf)  }
0xc2: {  	s30 =	sand.u32 $0x1FFFFFF0, s25;
	s31 =	spop (v2sf)  }
0xc3: {  	s1 =	sadd.s32 s3, s30;
	s6 =	sand.u32 $0x1FFFFFF0, s31;
	s7 =	spop (v2sf)  }
0xc4: {  	[tilespmem:s12], [sflag:$0x1] =	stream.linear.gather [hbm4b:s1+s2], $0x80, $0x38;
	[tilespmem:$0x10400] =	vst v63  }
0xc5: {  	s8 =	sadd.s32 s4, s6;
	s10 =	sand.u32 $0x1FFFFFF0, s7;
	s11 =	spop (v2sf)  }
0xc6: {  	[tilespmem:s9], [sflag:$0x2] =	stream.linear.gather [hbm4b:s8+s2], $0x80, $0x38;
	[tilespmem:$0x10400] =	vst v63  }
0xc7: {  	s12 =	sadd.s32 s3, s10;
	s13 =	sand.u32 $0x1FFFFFF0, s11;
	s14 =	spop (v2sf)  }
0xc8: {  	[tilespmem:s28], [sflag:$0x1] =	stream.linear.gather [hbm4b:s12+s2], $0x80, $0x38;
	[tilespmem:$0x10400] =	vst v63  }
0xc9: {  	s15 =	sadd.s32 s4, s13;
	s16 =	sand.u32 $0x1FFFFFF0, s14;
	s17 =	spop (v2sf)  }
0xca: {  	[tilespmem:s26], [sflag:$0x2] =	stream.linear.gather [hbm4b:s15+s2], $0x80, $0x38;
	[tilespmem:$0x10400] =	vst v63  }
0xcb: {  	s18 =	sadd.s32 $0xB80, s19;
	s1 =	sadd.s32 s3, s16;
	s5 =	sand.u32 $0x1FFFFFF0, s17  }
0xcc: {  	[tilespmem:s18], [sflag:$0x1] =	stream.linear.gather [hbm4b:s1+s2], $0x80, $0x38;
	[tilespmem:$0x10400] =	vst v63  }
0xcd: {  	s20 =	sadd.s32 $0x8B80, s19;
	s22 =	simm.s32 $0x1;
	s21 =	sadd.s32 s4, s5  }
0xce: {  	[tilespmem:s20], [sflag:$0x2] =	stream.linear.gather [hbm4b:s21+s2], $0x80, $0x38;
	[tilespmem:$0x10400] =	vst v63  }
0xcf: {  	_ =	swait.ge [sflag:s22], $0x8000  }
0xd0: {  	s23 =	rddreg [dreg:$0xd]  }
0xd1: {  	s24 =	rddreg [dreg:$0x14]  }
0xd2: {  	s28 =	simm.s32 $0x3;
	s0 =	sor.u32 s23, s24  }
0xd3: {  	[sflag:s22] =	ssyncset.done $0x0;
	s25 =	rddreg [dreg:$0xe];
	s0 =	sshll.u32 s0, $0x4  }
0xd4: {  	s26 =	simm.s32 $0x400;
	[sflag:s22] =	ssyncadd.s32 $0xFFFF8000;
	s1 =	sadd.s32 s25, s0  }
0xd5: {  	[hbm4b:s1+s2] =	stream.linear.scatter [tilespmem:s26], [sflag:$0x3], $0x8000, $0x38;
	[tilespmem:$0x10400] =	vst v63  }
0xd6: {  	_ =	swait.ge [sflag:s28], $0x8000  }
0xd7: {  	[sflag:s28] =	ssyncset.done $0x0  }
0xd8: {  	s29 =	simm.s32 $0x2;
	[sflag:s28] =	ssyncadd.s32 $0xFFFF8000  }
0xd9: {  	_ =	swait.ge [sflag:s29], $0x8000  }
0xda: {  	s31 =	simm.s32 $0x8400;
	[sflag:s29] =	ssyncset.done $0x0;
	s30 =	rddreg [dreg:$0xf]  }
.Ltmp1:
0xdb: {  	[sflag:s29] =	ssyncadd.s32 $0xFFFF8000;
	s0 =	sadd.s32 s30, s0;
	(pc) =	sbr.rel @p0 .LBB2_2-.Ltmp1, $4  }
0xdc: {  	[hbm4b:s0+s2] =	stream.linear.scatter [tilespmem:s31], [sflag:$0x3], $0x8000, $0x38;
	[tilespmem:$0x10400] =	vst v63  }
0xdd: {  	_ =	swait.ge [sflag:s28], $0x8000  }
0xde: {  	[sflag:s28] =	ssyncset.done $0x0  }
0xdf: {  	p1 =	por $0x0, $0x0;
	s0 =	simm.s32 $0x100;
	[sflag:s28] =	ssyncadd.s32 $0xFFFF8000  }
0xe0: {  	s1 =	rddreg [dreg:$0x13]  }
0xe1: {  	s0 =	rddreg [dreg:$0x12];
	s1 =	sadd.s32 $0x1, s1  }
0xe2: {  	p0 =	sne.s32 s1, s0  }
.Ltmp2:
0xe3: {  	_ = 	snop;
	(pc) =	sbr.rel @p0 .LBB2_1-.Ltmp2, $1  }
0xe4: {  	_ =	sdelay $0x3  }
0xe5: {  	_ =	sfence.sel $0x180000  }
0xe6: {  	[bflag:$0x0] =	sbarrier.arrive $0xFFFF  }
0xe7: {  	_ =	strace $0x90000047  }
0xe8: {  	s0 =	stileid.u32;
	[bflag:$0x2] =	sbarrier.arrive $0xFFFF  }
0xe9: {  	p0 =	sne.s32 s0, $0x0;
	s0 =	rddreg [dreg:$0x3]  }
0xea: {  	s0 =	sadd.s32 @!p0 $0x100000, s0  }
0xeb: {  	[sflag:s0] =	ssyncadd.tile.s32 @!p0 $0x1;
	_ =	shalt  }
.Lfunc_end2:
_tile_overlayer_lowered:
.L_overlay_start_2:
0xec: {  	(tag) =	ssettag $0x2  }
0xed: {  	s0 =	rddreg [dreg:$0x0];
	s2 =	stileid.u32  }
0xee: {  	s1 =	rddreg [dreg:$0x1];
	p0 =	sne.s32 s2, $0x0  }
0xef: {  	s3 =	rddreg [dreg:$0x2];
	[bflag:$0x3] =	sbarrier.arrive $0xFFFF;
	s2 =	simm.s32 @!p0 $0x1C03  }
0xf0: {  	[timem:s3], [sflag:s2] =	dma.local @!p0 [hbm:s0], s1  }
0xf1: {  	s0 =	simm.s32 @!p0 $0x3  }
0xf2: {  	_ =	swait.ge @!p0 [sflag:s0], s1  }
0xf3: {  	s1 =	ssub.s32 @!p0 $0x0, s1;
	[sflag:s0] =	ssyncset.done @!p0 $0x0  }
0xf4: {  	[sflag:s0] =	ssyncadd.s32 @!p0 s1  }
0xf5: {  	[bflag:$0x3] =	sbarrier.arrive $0xFFFF  }
0xf6: {  	_ =	shalt  }

</sc_bundles>
